<compile_context>
chip_gen: v7x
topology: tpu7x:2x2x1
jax: 0.10.2.dev20260603
libtpu: 0.0.44.dev20260713+nightly
codegen_flags: <defaults>
</compile_context>

<pallas_src>
import numpy as _np

import jax
import jax.numpy as jnp
from jax import lax
from jax.experimental import pallas as pl
from jax.experimental.pallas import tpu as pltpu
from jax.experimental.pallas import tpu_sc as plsc

NC = 2
NS = 16
NW = NC * NS
LANES = 16

N_U = 5000
N_I = 5000
D = 128
E = 320000

NP = 5008
RPT = NP // NS
HN = 5120
EPT = E // NW
CHUNK = 125
CPT = EPT // CHUNK
VPT = EPT // LANES


_mesh = plsc.VectorSubcoreMesh(
    core_axis_name="c", subcore_axis_name="s", num_cores=NC, num_subcores=NS
)

_sc_params = pltpu.CompilerParams(
    use_tc_tiling_on_sc=False, needs_layout_passes=False
)


def _hist_body(src_hbm, dst_hbm, hist_hbm, idx_v, sub_v, deg_v):
    c = lax.axis_index("c")
    s = lax.axis_index("s")
    wid = c * NS + s
    lane = lax.broadcasted_iota(jnp.int32, (LANES,), 0)
    ones = jnp.ones((LANES,), jnp.float32)
    zeros = jnp.zeros((LANES,), jnp.float32)

    for d, ref in ((0, src_hbm), (1, dst_hbm)):
        pltpu.sync_copy(ref.at[wid], idx_v)

        def zero_body(t, _):
            for u in range(8):
                sub_v[pl.ds((t * 8 + u) * LANES, LANES)] = zeros
            return _

        lax.fori_loop(0, NS * (HN // LANES) // 8, zero_body, 0)

        def edge_body(t, _):
            for u in range(5):
                idx = idx_v[pl.ds((t * 5 + u) * LANES, LANES)]
                plsc.addupdate_scatter(sub_v, [lane * HN + idx], ones)
            return _

        lax.fori_loop(0, VPT // 5, edge_body, 0)

        def red_body(i, _):
            acc = sub_v[pl.ds(i * LANES, LANES)]
            for r in range(1, NS):
                acc = acc + sub_v[pl.ds(r * HN + i * LANES, LANES)]
            deg_v[pl.ds(d * HN + i * LANES, LANES)] = acc
            return _

        lax.fori_loop(0, HN // LANES, red_body, 0)

    pltpu.sync_copy(deg_v.at[pl.ds(0, HN)], hist_hbm.at[wid])
    pltpu.sync_copy(deg_v.at[pl.ds(HN, HN)], hist_hbm.at[NW + wid])


_hist_call = pl.kernel(
    _hist_body,
    out_type=jax.ShapeDtypeStruct((2 * NW, HN), jnp.float32),
    mesh=_mesh,
    scratch_types=[
        pltpu.VMEM((EPT,), jnp.int32),
        pltpu.VMEM((NS * HN,), jnp.float32),
        pltpu.VMEM((2 * HN,), jnp.float32),
    ],
    compiler_params=_sc_params,
)


def _prep_body(hist_ref, u_ref, i_ref, wu_ref, wi_ref, inv_ref):
    h = hist_ref[...]
    r = lax.broadcasted_iota(jnp.int32, (2 * NW, 2), 0)
    col = lax.broadcasted_iota(jnp.int32, (2 * NW, 2), 1)
    sel = jnp.where((r < NW) == (col == 0), 1.0, 0.0).astype(jnp.float32)
    deg2 = lax.dot_general(
        h, sel, (((0,), (0,)), ((), ())), preferred_element_type=jnp.float32
    )
    inv2 = jnp.where(deg2 > 0, lax.rsqrt(jnp.maximum(deg2, 1.0)), 0.0)
    inv_ref[...] = inv2
    wu_ref[0:N_U, :] = u_ref[...] * inv2[:N_U, 0:1]
    wu_ref[N_U:NP, :] = jnp.zeros((NP - N_U, D), jnp.float32)
    wi_ref[0:N_I, :] = i_ref[...] * inv2[:N_I, 1:2]
    wi_ref[N_I:NP, :] = jnp.zeros((NP - N_I, D), jnp.float32)


_prep_call = pl.pallas_call(
    _prep_body,
    out_shape=[
        jax.ShapeDtypeStruct((NP, D), jnp.float32),
        jax.ShapeDtypeStruct((NP, D), jnp.float32),
        jax.ShapeDtypeStruct((HN, 2), jnp.float32),
    ],
)


def _main_body(
    wu_hbm, wi_hbm, src_hbm, dst_hbm, oi_hbm, ou_hbm,
    srcv, dstv, bufu, bufi, bufc, bufd, acc, sem_u, sem_i, sem_c, sem_d,
):
    c = lax.axis_index("c")
    s = lax.axis_index("s")
    wid = c * NS + s
    pltpu.sync_copy(src_hbm.at[wid], srcv)
    pltpu.sync_copy(dst_hbm.at[wid], dstv)

    zeros = jnp.zeros((LANES,), jnp.float32)

    def zero_buf():
        def zero_body(r, _):
            for k in range(D // LANES):
                bufu[r, pl.ds(k * LANES, LANES)] = zeros
            return _

        lax.fori_loop(0, CHUNK, zero_body, 0)

    row0 = s * RPT
    tail = RPT - 2 * CHUNK

    def zero_acc():
        pltpu.sync_copy(bufu, acc.at[pl.ds(row0, CHUNK)])
        pltpu.sync_copy(bufu, acc.at[pl.ds(row0 + CHUNK, CHUNK)])
        pltpu.sync_copy(bufu.at[pl.ds(0, tail)], acc.at[pl.ds(row0 + 2 * CHUNK, tail)])

    off = c * NP + row0

    bufs = (bufu, bufi, bufc, bufd)
    sems = (sem_u, sem_i, sem_c, sem_d)

    def run_pass(table_hbm, gidx, sidx):
        def body(j4, _):
            j = 4 * j4
            ds_ = [
                pltpu.async_copy(table_hbm.at[gidx.at[j + u]], bufs[u], sems[u])
                for u in range(4)
            ]
            for u in range(4):
                ds_[u].wait()
                pltpu.sync_copy(bufs[u], acc.at[sidx.at[j + u]], add=True)
            return _

        lax.fori_loop(0, CPT // 4, body, 0)

    zero_buf()
    zero_acc()
    plsc.subcore_barrier()
    run_pass(wu_hbm, srcv, dstv)
    plsc.subcore_barrier()
    pltpu.sync_copy(acc.at[pl.ds(row0, RPT)], oi_hbm.at[pl.ds(off, RPT)])

    zero_buf()
    zero_acc()
    plsc.subcore_barrier()
    run_pass(wi_hbm, dstv, srcv)
    plsc.subcore_barrier()
    pltpu.sync_copy(acc.at[pl.ds(row0, RPT)], ou_hbm.at[pl.ds(off, RPT)])


_main_call = pl.kernel(
    _main_body,
    out_type=[
        jax.ShapeDtypeStruct((NC * NP, D), jnp.float32),
        jax.ShapeDtypeStruct((NC * NP, D), jnp.float32),
    ],
    mesh=_mesh,
    scratch_types=[
        pltpu.VMEM((CPT, CHUNK), jnp.int32),
        pltpu.VMEM((CPT, CHUNK), jnp.int32),
        pltpu.VMEM((CHUNK, D), jnp.float32),
        pltpu.VMEM((CHUNK, D), jnp.float32),
        pltpu.VMEM((CHUNK, D), jnp.float32),
        pltpu.VMEM((CHUNK, D), jnp.float32),
        pltpu.VMEM_SHARED((NP, D), jnp.float32),
        pltpu.SemaphoreType.DMA,
        pltpu.SemaphoreType.DMA,
        pltpu.SemaphoreType.DMA,
        pltpu.SemaphoreType.DMA,
    ],
    compiler_params=_sc_params,
)


def _fin_body(oi_ref, ou_ref, inv_ref, items_ref, users_ref):
    inv2 = inv_ref[...]
    items_ref[...] = (oi_ref[0:N_I, :] + oi_ref[NP : NP + N_I, :]) * inv2[:N_I, 1:2]
    users_ref[...] = (ou_ref[0:N_U, :] + ou_ref[NP : NP + N_U, :]) * inv2[:N_U, 0:1]


_fin_call = pl.pallas_call(
    _fin_body,
    out_shape=[
        jax.ShapeDtypeStruct((N_I, D), jnp.float32),
        jax.ShapeDtypeStruct((N_U, D), jnp.float32),
    ],
)


@jax.jit
def kernel(ufeats, ifeats, edge_index):
    src = edge_index[0].astype(jnp.int32)
    dst = edge_index[1].astype(jnp.int32)
    src3 = src.reshape(NW, CPT, CHUNK)
    dst3 = dst.reshape(NW, CPT, CHUNK)
    srcf = src.reshape(NW, EPT)
    dstf = dst.reshape(NW, EPT)

    hist = _hist_call(srcf, dstf)
    wu, wi, inv2 = _prep_call(hist, ufeats, ifeats)
    oi, ou = _main_call(wu, wi, src3, dst3)
    items, users = _fin_call(oi, ou, inv2)
    return users, items

# --- scband reference (transcript-rebuilt; emitter-appended) ---
"""Pipeline reference for scband-light-gcnlayer-9672266351222 (READ-ONLY COPY).

The authoritative reference and input builder live on the scoring server;
editing this copy changes nothing except your own understanding.
"""

import jax, jax.numpy as jnp
import numpy as np

N_USERS = 5000
N_ITEMS = 5000
N_EDGES = 320000
D_FEAT = 128


def setup_inputs(seed: int = 0) -> dict:
    key = jax.random.key(seed)
    k1, k2, k3, k4 = jax.random.split(key, 4)
    ufeats = jax.random.normal(k1, (N_USERS, D_FEAT), dtype=jnp.float32)
    ifeats = jax.random.normal(k2, (N_ITEMS, D_FEAT), dtype=jnp.float32)
    src = jax.random.randint(k3, (N_EDGES,), 0, N_USERS, dtype=jnp.int64)
    dst = jax.random.randint(k4, (N_EDGES,), 0, N_ITEMS, dtype=jnp.int64)
    edge_index = jnp.stack([src, dst], axis=0)
    return {"ufeats": ufeats, "ifeats": ifeats, "edge_index": edge_index}


def reference(ufeats, ifeats, edge_index):
    # LightGCN layer on a bipartite user-item graph with one edge type
    # ('rates') and its reverse. Dropouts are identity at inference.
    src = edge_index[0]  # user indices (sources of 'rates')
    dst = edge_index[1]  # item indices (destinations of 'rates')
    n_u = ufeats.shape[0]
    n_i = ifeats.shape[0]

    # degree-based symmetric normalization coefficients
    deg_u = jnp.bincount(src, length=n_u).astype(jnp.float32)
    deg_i = jnp.bincount(dst, length=n_i).astype(jnp.float32)
    inv_sqrt_u = jnp.where(deg_u > 0, jax.lax.rsqrt(jnp.maximum(deg_u, 1.0)), 0.0)[:, None]
    inv_sqrt_i = jnp.where(deg_i > 0, jax.lax.rsqrt(jnp.maximum(deg_i, 1.0)), 0.0)[:, None]

    # edge type 'rates': user -> item
    #   cj (srcdata) = out-degree(user)^(-1/2), ci (dstdata) = in-degree(item)^(-1/2)
    weighted_u = ufeats * inv_sqrt_u
    out_items = jax.ops.segment_sum(weighted_u[src], dst, num_segments=n_i) * inv_sqrt_i

    # edge type 'reverse-rates': item -> user (same edges, reversed)
    #   cj (srcdata) = deg(item)^(-1/2), ci (dstdata) = deg(user)^(-1/2)
    weighted_i = ifeats * inv_sqrt_i
    out_users = jax.ops.segment_sum(weighted_i[dst], src, num_segments=n_u) * inv_sqrt_u

    # HeteroGraphConv aggregate='sum': each node type receives from one etype only
    # feature_dropout is identity at inference
    return (out_users, out_items)

if __name__ == "__main__":
    import jax
    _d = setup_inputs()
    print(jax.jit(kernel)(*tuple(_d.values())))

</pallas_src>

<mosaic_0001>
#map = affine_map<(d0, d1) -> (0, 0)>
#map1 = affine_map<(d0, d1) -> (0, 0, 0)>
module attributes {stable_mosaic.version = 14 : i64} {
  func.func @_main_body(%arg0: i32, %arg1: i32, %arg2: memref<5008x128xf32, #tpu.memory_space<hbm>>, %arg3: memref<5008x128xf32, #tpu.memory_space<hbm>>, %arg4: memref<32x80x125xi32, #tpu.memory_space<hbm>>, %arg5: memref<32x80x125xi32, #tpu.memory_space<hbm>>, %arg6: memref<10016x128xf32, #tpu.memory_space<hbm>>, %arg7: memref<10016x128xf32, #tpu.memory_space<hbm>>, %arg8: memref<80x125xi32, #tpu.memory_space<vmem>>, %arg9: memref<80x125xi32, #tpu.memory_space<vmem>>, %arg10: memref<125x128xf32, #tpu.memory_space<vmem>>, %arg11: memref<125x128xf32, #tpu.memory_space<vmem>>, %arg12: memref<125x128xf32, #tpu.memory_space<vmem>>, %arg13: memref<125x128xf32, #tpu.memory_space<vmem>>, %arg14: memref<5008x128xf32, #tpu.memory_space<vmem_shared>>, %arg15: memref<!tpu.dma_semaphore, #tpu.memory_space<semaphore_mem>>, %arg16: memref<!tpu.dma_semaphore, #tpu.memory_space<semaphore_mem>>, %arg17: memref<!tpu.dma_semaphore, #tpu.memory_space<semaphore_mem>>, %arg18: memref<!tpu.dma_semaphore, #tpu.memory_space<semaphore_mem>>) attributes {dimension_semantics = [#tpu.dimension_semantics<core_parallel>, #tpu.dimension_semantics<subcore_parallel>], iteration_bounds = array<i64: 2, 16>, scalar_prefetch = 0 : i64, scratch_operands = 11 : i64, tpu.core_type = #tpu.core_type<sc_vector_subcore>, window_params = [{transform_indices = #map}, {transform_indices = #map}, {transform_indices = #map1}, {transform_indices = #map1}, {transform_indices = #map}, {transform_indices = #map}]} {
    %mul3A = arith.constant 16 : i32
    %mul3A_0 = arith.muli %arg0, %mul3A : i32
    %add3A = arith.addi %mul3A_0, %arg1 : i32
    "tpu.region"() ({
      %run_scoped3A = tpu.sem_alloc : memref<!tpu.dma_semaphore, #tpu.memory_space<semaphore_mem>>
      %dma_start3A = arith.constant 0 : i32
      %dma_start3A_41 = arith.constant 0 : i32
      %dma_start3A_42 = tpu.memref_slice %arg4[%add3A, %dma_start3A, %dma_start3A_41] : memref<32x80x125xi32, #tpu.memory_space<hbm>> -> memref<1x80x125xi32, #tpu.memory_space<hbm>>
      %dma_start3A_43 = tpu.memref_squeeze %dma_start3A_42 : memref<1x80x125xi32, #tpu.memory_space<hbm>> -> memref<80x125xi32, #tpu.memory_space<hbm>>
      %dma_start3A_44 = arith.constant 0 : i32
      %dma_start3A_45 = arith.constant 0 : i32
      %dma_start3A_46 = tpu.memref_slice %arg4[%add3A, %dma_start3A_44, %dma_start3A_45] : memref<32x80x125xi32, #tpu.memory_space<hbm>> -> memref<1x80x125xi32, #tpu.memory_space<hbm>>
      %dma_start3A_47 = tpu.memref_squeeze %dma_start3A_46 : memref<1x80x125xi32, #tpu.memory_space<hbm>> -> memref<80x125xi32, #tpu.memory_space<hbm>>
      tpu.enqueue_dma source(%dma_start3A_47 : memref<80x125xi32, #tpu.memory_space<hbm>>) target(%arg8 : memref<80x125xi32, #tpu.memory_space<vmem>>) target_semaphore(%run_scoped3A : memref<!tpu.dma_semaphore, #tpu.memory_space<semaphore_mem>>)
      %dma_wait3A = arith.constant 0 : i32
      %dma_wait3A_48 = arith.constant 0 : i32
      %dma_wait3A_49 = tpu.memref_slice %arg4[%add3A, %dma_wait3A, %dma_wait3A_48] : memref<32x80x125xi32, #tpu.memory_space<hbm>> -> memref<1x80x125xi32, #tpu.memory_space<hbm>>
      %dma_wait3A_50 = tpu.memref_squeeze %dma_wait3A_49 : memref<1x80x125xi32, #tpu.memory_space<hbm>> -> memref<80x125xi32, #tpu.memory_space<hbm>>
      %dma_wait3A_51 = arith.constant 0 : i32
      %dma_wait3A_52 = arith.constant 0 : i32
      %dma_wait3A_53 = tpu.memref_slice %arg4[%add3A, %dma_wait3A_51, %dma_wait3A_52] : memref<32x80x125xi32, #tpu.memory_space<hbm>> -> memref<1x80x125xi32, #tpu.memory_space<hbm>>
      %dma_wait3A_54 = tpu.memref_squeeze %dma_wait3A_53 : memref<1x80x125xi32, #tpu.memory_space<hbm>> -> memref<80x125xi32, #tpu.memory_space<hbm>>
      tpu.wait_dma2 semaphore(%run_scoped3A : memref<!tpu.dma_semaphore, #tpu.memory_space<semaphore_mem>>) src(%dma_wait3A_54 : memref<80x125xi32, #tpu.memory_space<hbm>>) dst(%arg8 : memref<80x125xi32, #tpu.memory_space<vmem>>)
      tpu.yield
    }) : () -> ()
    "tpu.region"() ({
      %run_scoped3A = tpu.sem_alloc : memref<!tpu.dma_semaphore, #tpu.memory_space<semaphore_mem>>
      %dma_start3A = arith.constant 0 : i32
      %dma_start3A_41 = arith.constant 0 : i32
      %dma_start3A_42 = tpu.memref_slice %arg5[%add3A, %dma_start3A, %dma_start3A_41] : memref<32x80x125xi32, #tpu.memory_space<hbm>> -> memref<1x80x125xi32, #tpu.memory_space<hbm>>
      %dma_start3A_43 = tpu.memref_squeeze %dma_start3A_42 : memref<1x80x125xi32, #tpu.memory_space<hbm>> -> memref<80x125xi32, #tpu.memory_space<hbm>>
      %dma_start3A_44 = arith.constant 0 : i32
      %dma_start3A_45 = arith.constant 0 : i32
      %dma_start3A_46 = tpu.memref_slice %arg5[%add3A, %dma_start3A_44, %dma_start3A_45] : memref<32x80x125xi32, #tpu.memory_space<hbm>> -> memref<1x80x125xi32, #tpu.memory_space<hbm>>
      %dma_start3A_47 = tpu.memref_squeeze %dma_start3A_46 : memref<1x80x125xi32, #tpu.memory_space<hbm>> -> memref<80x125xi32, #tpu.memory_space<hbm>>
      tpu.enqueue_dma source(%dma_start3A_47 : memref<80x125xi32, #tpu.memory_space<hbm>>) target(%arg9 : memref<80x125xi32, #tpu.memory_space<vmem>>) target_semaphore(%run_scoped3A : memref<!tpu.dma_semaphore, #tpu.memory_space<semaphore_mem>>)
      %dma_wait3A = arith.constant 0 : i32
      %dma_wait3A_48 = arith.constant 0 : i32
      %dma_wait3A_49 = tpu.memref_slice %arg5[%add3A, %dma_wait3A, %dma_wait3A_48] : memref<32x80x125xi32, #tpu.memory_space<hbm>> -> memref<1x80x125xi32, #tpu.memory_space<hbm>>
      %dma_wait3A_50 = tpu.memref_squeeze %dma_wait3A_49 : memref<1x80x125xi32, #tpu.memory_space<hbm>> -> memref<80x125xi32, #tpu.memory_space<hbm>>
      %dma_wait3A_51 = arith.constant 0 : i32
      %dma_wait3A_52 = arith.constant 0 : i32
      %dma_wait3A_53 = tpu.memref_slice %arg5[%add3A, %dma_wait3A_51, %dma_wait3A_52] : memref<32x80x125xi32, #tpu.memory_space<hbm>> -> memref<1x80x125xi32, #tpu.memory_space<hbm>>
      %dma_wait3A_54 = tpu.memref_squeeze %dma_wait3A_53 : memref<1x80x125xi32, #tpu.memory_space<hbm>> -> memref<80x125xi32, #tpu.memory_space<hbm>>
      tpu.wait_dma2 semaphore(%run_scoped3A : memref<!tpu.dma_semaphore, #tpu.memory_space<semaphore_mem>>) src(%dma_wait3A_54 : memref<80x125xi32, #tpu.memory_space<hbm>>) dst(%arg9 : memref<80x125xi32, #tpu.memory_space<vmem>>)
      tpu.yield
    }) : () -> ()
    %broadcast_in_dim3A = arith.constant 0.000000e+00 : f32
    %broadcast_in_dim3A_1 = vector.broadcast %broadcast_in_dim3A : f32 to vector<16xf32>
    %mul3A_2 = arith.constant 313 : i32
    %mul3A_3 = arith.muli %arg1, %mul3A_2 : i32
    %mul3A_4 = arith.constant 5008 : i32
    %mul3A_5 = arith.muli %arg0, %mul3A_4 : i32
    %add3A_6 = arith.addi %mul3A_5, %mul3A_3 : i32
    %scan3A = arith.constant 0 : i32
    %scan3A_7 = arith.constant 0 : i32
    %scan3A_8 = arith.constant 125 : i32
    %scan3A_9 = arith.addi %scan3A_7, %scan3A_8 : i32
    %scan3A_10 = arith.constant 1 : i32
    scf.for %scan3A_41 = %scan3A_7 to %scan3A_9 step %scan3A_10  : i32 {
      %swap3A = arith.index_cast %scan3A_41 : i32 to index
      %swap3A_42 = arith.constant 0 : index
      %swap3A_43 = tpu.vector_load %arg10[%swap3A, %swap3A_42] {strides = array<i32>} : memref<125x128xf32, #tpu.memory_space<vmem>>, vector<16xf32>,
      tpu.vector_store %arg10[%swap3A, %swap3A_42], %broadcast_in_dim3A_1 {strides = array<i32>} : memref<125x128xf32, #tpu.memory_space<vmem>>, vector<16xf32>,
      %swap3A_44 = arith.index_cast %scan3A_41 : i32 to index
      %swap3A_45 = arith.constant 16 : index
      %swap3A_46 = tpu.vector_load %arg10[%swap3A_44, %swap3A_45] {strides = array<i32>} : memref<125x128xf32, #tpu.memory_space<vmem>>, vector<16xf32>,
      tpu.vector_store %arg10[%swap3A_44, %swap3A_45], %broadcast_in_dim3A_1 {strides = array<i32>} : memref<125x128xf32, #tpu.memory_space<vmem>>, vector<16xf32>,
      %swap3A_47 = arith.index_cast %scan3A_41 : i32 to index
      %swap3A_48 = arith.constant 32 : index
      %swap3A_49 = tpu.vector_load %arg10[%swap3A_47, %swap3A_48] {strides = array<i32>} : memref<125x128xf32, #tpu.memory_space<vmem>>, vector<16xf32>,
      tpu.vector_store %arg10[%swap3A_47, %swap3A_48], %broadcast_in_dim3A_1 {strides = array<i32>} : memref<125x128xf32, #tpu.memory_space<vmem>>, vector<16xf32>,
      %swap3A_50 = arith.index_cast %scan3A_41 : i32 to index
      %swap3A_51 = arith.constant 48 : index
      %swap3A_52 = tpu.vector_load %arg10[%swap3A_50, %swap3A_51] {strides = array<i32>} : memref<125x128xf32, #tpu.memory_space<vmem>>, vector<16xf32>,
      tpu.vector_store %arg10[%swap3A_50, %swap3A_51], %broadcast_in_dim3A_1 {strides = array<i32>} : memref<125x128xf32, #tpu.memory_space<vmem>>, vector<16xf32>,
      %swap3A_53 = arith.index_cast %scan3A_41 : i32 to index
      %swap3A_54 = arith.constant 64 : index
      %swap3A_55 = tpu.vector_load %arg10[%swap3A_53, %swap3A_54] {strides = array<i32>} : memref<125x128xf32, #tpu.memory_space<vmem>>, vector<16xf32>,
      tpu.vector_store %arg10[%swap3A_53, %swap3A_54], %broadcast_in_dim3A_1 {strides = array<i32>} : memref<125x128xf32, #tpu.memory_space<vmem>>, vector<16xf32>,
      %swap3A_56 = arith.index_cast %scan3A_41 : i32 to index
      %swap3A_57 = arith.constant 80 : index
      %swap3A_58 = tpu.vector_load %arg10[%swap3A_56, %swap3A_57] {strides = array<i32>} : memref<125x128xf32, #tpu.memory_space<vmem>>, vector<16xf32>,
      tpu.vector_store %arg10[%swap3A_56, %swap3A_57], %broadcast_in_dim3A_1 {strides = array<i32>} : memref<125x128xf32, #tpu.memory_space<vmem>>, vector<16xf32>,
      %swap3A_59 = arith.index_cast %scan3A_41 : i32 to index
      %swap3A_60 = arith.constant 96 : index
      %swap3A_61 = tpu.vector_load %arg10[%swap3A_59, %swap3A_60] {strides = array<i32>} : memref<125x128xf32, #tpu.memory_space<vmem>>, vector<16xf32>,
      tpu.vector_store %arg10[%swap3A_59, %swap3A_60], %broadcast_in_dim3A_1 {strides = array<i32>} : memref<125x128xf32, #tpu.memory_space<vmem>>, vector<16xf32>,
      %swap3A_62 = arith.index_cast %scan3A_41 : i32 to index
      %swap3A_63 = arith.constant 112 : index
      %swap3A_64 = tpu.vector_load %arg10[%swap3A_62, %swap3A_63] {strides = array<i32>} : memref<125x128xf32, #tpu.memory_space<vmem>>, vector<16xf32>,
      tpu.vector_store %arg10[%swap3A_62, %swap3A_63], %broadcast_in_dim3A_1 {strides = array<i32>} : memref<125x128xf32, #tpu.memory_space<vmem>>, vector<16xf32>,
    }
    %scan3A_11 = arith.constant 125 : i32
    "tpu.region"() ({
      %run_scoped3A = tpu.sem_alloc : memref<!tpu.dma_semaphore, #tpu.memory_space<semaphore_mem>>
      %dma_start3A = arith.constant 0 : i32
      %dma_start3A_41 = tpu.memref_slice %arg14[%mul3A_3, %dma_start3A] : memref<5008x128xf32, #tpu.memory_space<vmem_shared>> -> memref<125x128xf32, #tpu.memory_space<vmem_shared>>
      %dma_start3A_42 = arith.constant 0 : i32
      %dma_start3A_43 = tpu.memref_slice %arg14[%mul3A_3, %dma_start3A_42] : memref<5008x128xf32, #tpu.memory_space<vmem_shared>> -> memref<125x128xf32, #tpu.memory_space<vmem_shared>>
      tpu.enqueue_dma source(%arg10 : memref<125x128xf32, #tpu.memory_space<vmem>>) target(%dma_start3A_43 : memref<125x128xf32, #tpu.memory_space<vmem_shared>>) target_semaphore(%run_scoped3A : memref<!tpu.dma_semaphore, #tpu.memory_space<semaphore_mem>>)
      %dma_wait3A = arith.constant 0 : i32
      %dma_wait3A_44 = tpu.memref_slice %arg14[%mul3A_3, %dma_wait3A] : memref<5008x128xf32, #tpu.memory_space<vmem_shared>> -> memref<125x128xf32, #tpu.memory_space<vmem_shared>>
      %dma_wait3A_45 = arith.constant 0 : i32
      %dma_wait3A_46 = tpu.memref_slice %arg14[%mul3A_3, %dma_wait3A_45] : memref<5008x128xf32, #tpu.memory_space<vmem_shared>> -> memref<125x128xf32, #tpu.memory_space<vmem_shared>>
      tpu.wait_dma2 semaphore(%run_scoped3A : memref<!tpu.dma_semaphore, #tpu.memory_space<semaphore_mem>>) src(%arg10 : memref<125x128xf32, #tpu.memory_space<vmem>>) dst(%dma_wait3A_46 : memref<125x128xf32, #tpu.memory_space<vmem_shared>>)
      tpu.yield
    }) : () -> ()
    %add3A_12 = arith.constant 125 : i32
    %add3A_13 = arith.addi %mul3A_3, %add3A_12 : i32
    "tpu.region"() ({
      %run_scoped3A = tpu.sem_alloc : memref<!tpu.dma_semaphore, #tpu.memory_space<semaphore_mem>>
      %dma_start3A = arith.constant 0 : i32
      %dma_start3A_41 = tpu.memref_slice %arg14[%add3A_13, %dma_start3A] : memref<5008x128xf32, #tpu.memory_space<vmem_shared>> -> memref<125x128xf32, #tpu.memory_space<vmem_shared>>
      %dma_start3A_42 = arith.constant 0 : i32
      %dma_start3A_43 = tpu.memref_slice %arg14[%add3A_13, %dma_start3A_42] : memref<5008x128xf32, #tpu.memory_space<vmem_shared>> -> memref<125x128xf32, #tpu.memory_space<vmem_shared>>
      tpu.enqueue_dma source(%arg10 : memref<125x128xf32, #tpu.memory_space<vmem>>) target(%dma_start3A_43 : memref<125x128xf32, #tpu.memory_space<vmem_shared>>) target_semaphore(%run_scoped3A : memref<!tpu.dma_semaphore, #tpu.memory_space<semaphore_mem>>)
      %dma_wait3A = arith.constant 0 : i32
      %dma_wait3A_44 = tpu.memref_slice %arg14[%add3A_13, %dma_wait3A] : memref<5008x128xf32, #tpu.memory_space<vmem_shared>> -> memref<125x128xf32, #tpu.memory_space<vmem_shared>>
      %dma_wait3A_45 = arith.constant 0 : i32
      %dma_wait3A_46 = tpu.memref_slice %arg14[%add3A_13, %dma_wait3A_45] : memref<5008x128xf32, #tpu.memory_space<vmem_shared>> -> memref<125x128xf32, #tpu.memory_space<vmem_shared>>
      tpu.wait_dma2 semaphore(%run_scoped3A : memref<!tpu.dma_semaphore, #tpu.memory_space<semaphore_mem>>) src(%arg10 : memref<125x128xf32, #tpu.memory_space<vmem>>) dst(%dma_wait3A_46 : memref<125x128xf32, #tpu.memory_space<vmem_shared>>)
      tpu.yield
    }) : () -> ()
    %add3A_14 = arith.constant 250 : i32
    %add3A_15 = arith.addi %mul3A_3, %add3A_14 : i32
    "tpu.region"() ({
      %run_scoped3A = tpu.sem_alloc : memref<!tpu.dma_semaphore, #tpu.memory_space<semaphore_mem>>
      %dma_start3A = arith.constant 0 : i32
      %dma_start3A_41 = arith.constant 0 : i32
      %dma_start3A_42 = tpu.memref_slice %arg10[%dma_start3A, %dma_start3A_41] : memref<125x128xf32, #tpu.memory_space<vmem>> -> memref<63x128xf32, #tpu.memory_space<vmem>>
      %dma_start3A_43 = arith.constant 0 : i32
      %dma_start3A_44 = tpu.memref_slice %arg14[%add3A_15, %dma_start3A_43] : memref<5008x128xf32, #tpu.memory_space<vmem_shared>> -> memref<63x128xf32, #tpu.memory_space<vmem_shared>>
      %dma_start3A_45 = arith.constant 0 : i32
      %dma_start3A_46 = tpu.memref_slice %arg14[%add3A_15, %dma_start3A_45] : memref<5008x128xf32, #tpu.memory_space<vmem_shared>> -> memref<63x128xf32, #tpu.memory_space<vmem_shared>>
      %dma_start3A_47 = arith.constant 0 : i32
      %dma_start3A_48 = arith.constant 0 : i32
      %dma_start3A_49 = tpu.memref_slice %arg10[%dma_start3A_47, %dma_start3A_48] : memref<125x128xf32, #tpu.memory_space<vmem>> -> memref<63x128xf32, #tpu.memory_space<vmem>>
      tpu.enqueue_dma source(%dma_start3A_49 : memref<63x128xf32, #tpu.memory_space<vmem>>) target(%dma_start3A_46 : memref<63x128xf32, #tpu.memory_space<vmem_shared>>) target_semaphore(%run_scoped3A : memref<!tpu.dma_semaphore, #tpu.memory_space<semaphore_mem>>)
      %dma_wait3A = arith.constant 0 : i32
      %dma_wait3A_50 = arith.constant 0 : i32
      %dma_wait3A_51 = tpu.memref_slice %arg10[%dma_wait3A, %dma_wait3A_50] : memref<125x128xf32, #tpu.memory_space<vmem>> -> memref<63x128xf32, #tpu.memory_space<vmem>>
      %dma_wait3A_52 = arith.constant 0 : i32
      %dma_wait3A_53 = tpu.memref_slice %arg14[%add3A_15, %dma_wait3A_52] : memref<5008x128xf32, #tpu.memory_space<vmem_shared>> -> memref<63x128xf32, #tpu.memory_space<vmem_shared>>
      %dma_wait3A_54 = arith.constant 0 : i32
      %dma_wait3A_55 = tpu.memref_slice %arg14[%add3A_15, %dma_wait3A_54] : memref<5008x128xf32, #tpu.memory_space<vmem_shared>> -> memref<63x128xf32, #tpu.memory_space<vmem_shared>>
      %dma_wait3A_56 = arith.constant 0 : i32
      %dma_wait3A_57 = arith.constant 0 : i32
      %dma_wait3A_58 = tpu.memref_slice %arg10[%dma_wait3A_56, %dma_wait3A_57] : memref<125x128xf32, #tpu.memory_space<vmem>> -> memref<63x128xf32, #tpu.memory_space<vmem>>
      tpu.wait_dma2 semaphore(%run_scoped3A : memref<!tpu.dma_semaphore, #tpu.memory_space<semaphore_mem>>) src(%dma_wait3A_58 : memref<63x128xf32, #tpu.memory_space<vmem>>) dst(%dma_wait3A_55 : memref<63x128xf32, #tpu.memory_space<vmem_shared>>)
      tpu.yield
    }) : () -> ()
    %barrier3A = arith.constant 0 : index
    tpu.barrier barrier_id(%barrier3A)
    %scan3A_16 = arith.constant 0 : i32
    %scan3A_17 = arith.constant 0 : i32
    %scan3A_18 = arith.constant 20 : i32
    %scan3A_19 = arith.addi %scan3A_17, %scan3A_18 : i32
    %scan3A_20 = arith.constant 1 : i32
    scf.for %scan3A_41 = %scan3A_17 to %scan3A_19 step %scan3A_20  : i32 {
      %mul3A_42 = arith.constant 4 : i32
      %mul3A_43 = arith.muli %mul3A_42, %scan3A_41 : i32
      %add3A_44 = arith.constant 0 : i32
      %add3A_45 = arith.addi %mul3A_43, %add3A_44 : i32
      %dma_start3A = arith.constant 0 : i32
      %dma_start3A_46 = tpu.memref_slice %arg8[%add3A_45, %dma_start3A] : memref<80x125xi32, #tpu.memory_space<vmem>> -> memref<1x125xi32, #tpu.memory_space<vmem>>
      %dma_start3A_47 = tpu.memref_squeeze %dma_start3A_46 : memref<1x125xi32, #tpu.memory_space<vmem>> -> memref<125xi32, #tpu.memory_space<vmem>>
      %dma_start3A_48 = arith.constant 0 : i32
      %dma_start3A_49 = arith.constant 0 : i32
      %dma_start3A_50 = tpu.memref_slice %arg2[%dma_start3A_48, %dma_start3A_49] : memref<5008x128xf32, #tpu.memory_space<hbm>> -> memref<5008x128xf32, #tpu.memory_space<hbm>>
      tpu.enqueue_indirect_dma source(%dma_start3A_50 : memref<5008x128xf32, #tpu.memory_space<hbm>>) target(%arg10 : memref<125x128xf32, #tpu.memory_space<vmem>>) offsets(%dma_start3A_47 : memref<125xi32, #tpu.memory_space<vmem>>) semaphore(%arg15 : memref<!tpu.dma_semaphore, #tpu.memory_space<semaphore_mem>>)
      %add3A_51 = arith.constant 1 : i32
      %add3A_52 = arith.addi %mul3A_43, %add3A_51 : i32
      %dma_start3A_53 = arith.constant 0 : i32
      %dma_start3A_54 = tpu.memref_slice %arg8[%add3A_52, %dma_start3A_53] : memref<80x125xi32, #tpu.memory_space<vmem>> -> memref<1x125xi32, #tpu.memory_space<vmem>>
      %dma_start3A_55 = tpu.memref_squeeze %dma_start3A_54 : memref<1x125xi32, #tpu.memory_space<vmem>> -> memref<125xi32, #tpu.memory_space<vmem>>
      %dma_start3A_56 = arith.constant 0 : i32
      %dma_start3A_57 = arith.constant 0 : i32
      %dma_start3A_58 = tpu.memref_slice %arg2[%dma_start3A_56, %dma_start3A_57] : memref<5008x128xf32, #tpu.memory_space<hbm>> -> memref<5008x128xf32, #tpu.memory_space<hbm>>
      tpu.enqueue_indirect_dma source(%dma_start3A_58 : memref<5008x128xf32, #tpu.memory_space<hbm>>) target(%arg11 : memref<125x128xf32, #tpu.memory_space<vmem>>) offsets(%dma_start3A_55 : memref<125xi32, #tpu.memory_space<vmem>>) semaphore(%arg16 : memref<!tpu.dma_semaphore, #tpu.memory_space<semaphore_mem>>)
      %add3A_59 = arith.constant 2 : i32
      %add3A_60 = arith.addi %mul3A_43, %add3A_59 : i32
      %dma_start3A_61 = arith.constant 0 : i32
      %dma_start3A_62 = tpu.memref_slice %arg8[%add3A_60, %dma_start3A_61] : memref<80x125xi32, #tpu.memory_space<vmem>> -> memref<1x125xi32, #tpu.memory_space<vmem>>
      %dma_start3A_63 = tpu.memref_squeeze %dma_start3A_62 : memref<1x125xi32, #tpu.memory_space<vmem>> -> memref<125xi32, #tpu.memory_space<vmem>>
      %dma_start3A_64 = arith.constant 0 : i32
      %dma_start3A_65 = arith.constant 0 : i32
      %dma_start3A_66 = tpu.memref_slice %arg2[%dma_start3A_64, %dma_start3A_65] : memref<5008x128xf32, #tpu.memory_space<hbm>> -> memref<5008x128xf32, #tpu.memory_space<hbm>>
      tpu.enqueue_indirect_dma source(%dma_start3A_66 : memref<5008x128xf32, #tpu.memory_space<hbm>>) target(%arg12 : memref<125x128xf32, #tpu.memory_space<vmem>>) offsets(%dma_start3A_63 : memref<125xi32, #tpu.memory_space<vmem>>) semaphore(%arg17 : memref<!tpu.dma_semaphore, #tpu.memory_space<semaphore_mem>>)
      %add3A_67 = arith.constant 3 : i32
      %add3A_68 = arith.addi %mul3A_43, %add3A_67 : i32
      %dma_start3A_69 = arith.constant 0 : i32
      %dma_start3A_70 = tpu.memref_slice %arg8[%add3A_68, %dma_start3A_69] : memref<80x125xi32, #tpu.memory_space<vmem>> -> memref<1x125xi32, #tpu.memory_space<vmem>>
      %dma_start3A_71 = tpu.memref_squeeze %dma_start3A_70 : memref<1x125xi32, #tpu.memory_space<vmem>> -> memref<125xi32, #tpu.memory_space<vmem>>
      %dma_start3A_72 = arith.constant 0 : i32
      %dma_start3A_73 = arith.constant 0 : i32
      %dma_start3A_74 = tpu.memref_slice %arg2[%dma_start3A_72, %dma_start3A_73] : memref<5008x128xf32, #tpu.memory_space<hbm>> -> memref<5008x128xf32, #tpu.memory_space<hbm>>
      tpu.enqueue_indirect_dma source(%dma_start3A_74 : memref<5008x128xf32, #tpu.memory_space<hbm>>) target(%arg13 : memref<125x128xf32, #tpu.memory_space<vmem>>) offsets(%dma_start3A_71 : memref<125xi32, #tpu.memory_space<vmem>>) semaphore(%arg18 : memref<!tpu.dma_semaphore, #tpu.memory_space<semaphore_mem>>)
      %dma_wait3A = arith.constant 0 : i32
      %dma_wait3A_75 = tpu.memref_slice %arg8[%add3A_45, %dma_wait3A] : memref<80x125xi32, #tpu.memory_space<vmem>> -> memref<1x125xi32, #tpu.memory_space<vmem>>
      %dma_wait3A_76 = tpu.memref_squeeze %dma_wait3A_75 : memref<1x125xi32, #tpu.memory_space<vmem>> -> memref<125xi32, #tpu.memory_space<vmem>>
      %dma_wait3A_77 = arith.constant 0 : i32
      %dma_wait3A_78 = arith.constant 0 : i32
      %dma_wait3A_79 = tpu.memref_slice %arg2[%dma_wait3A_77, %dma_wait3A_78] : memref<5008x128xf32, #tpu.memory_space<hbm>> -> memref<5008x128xf32, #tpu.memory_space<hbm>>
      tpu.wait_indirect_dma semaphore(%arg15 : memref<!tpu.dma_semaphore, #tpu.memory_space<semaphore_mem>>) src(%dma_wait3A_79 : memref<5008x128xf32, #tpu.memory_space<hbm>>) dst(%arg10 : memref<125x128xf32, #tpu.memory_space<vmem>>)
      %add3A_80 = arith.constant 0 : i32
      %add3A_81 = arith.addi %mul3A_43, %add3A_80 : i32
      "tpu.region"() ({
        %run_scoped3A = tpu.sem_alloc : memref<!tpu.dma_semaphore, #tpu.memory_space<semaphore_mem>>
        %dma_start3A_106 = arith.constant 0 : i32
        %dma_start3A_107 = tpu.memref_slice %arg9[%add3A_81, %dma_start3A_106] : memref<80x125xi32, #tpu.memory_space<vmem>> -> memref<1x125xi32, #tpu.memory_space<vmem>>
        %dma_start3A_108 = tpu.memref_squeeze %dma_start3A_107 : memref<1x125xi32, #tpu.memory_space<vmem>> -> memref<125xi32, #tpu.memory_space<vmem>>
        %dma_start3A_109 = arith.constant 0 : i32
        %dma_start3A_110 = arith.constant 0 : i32
        %dma_start3A_111 = tpu.memref_slice %arg14[%dma_start3A_109, %dma_start3A_110] : memref<5008x128xf32, #tpu.memory_space<vmem_shared>> -> memref<5008x128xf32, #tpu.memory_space<vmem_shared>>
        tpu.enqueue_indirect_dma source(%arg10 : memref<125x128xf32, #tpu.memory_space<vmem>>) target(%dma_start3A_111 : memref<5008x128xf32, #tpu.memory_space<vmem_shared>>) offsets(%dma_start3A_108 : memref<125xi32, #tpu.memory_space<vmem>>) semaphore(%run_scoped3A : memref<!tpu.dma_semaphore, #tpu.memory_space<semaphore_mem>>) {add = true}
        %dma_wait3A_112 = arith.constant 0 : i32
        %dma_wait3A_113 = tpu.memref_slice %arg9[%add3A_81, %dma_wait3A_112] : memref<80x125xi32, #tpu.memory_space<vmem>> -> memref<1x125xi32, #tpu.memory_space<vmem>>
        %dma_wait3A_114 = tpu.memref_squeeze %dma_wait3A_113 : memref<1x125xi32, #tpu.memory_space<vmem>> -> memref<125xi32, #tpu.memory_space<vmem>>
        %dma_wait3A_115 = arith.constant 0 : i32
        %dma_wait3A_116 = arith.constant 0 : i32
        %dma_wait3A_117 = tpu.memref_slice %arg14[%dma_wait3A_115, %dma_wait3A_116] : memref<5008x128xf32, #tpu.memory_space<vmem_shared>> -> memref<5008x128xf32, #tpu.memory_space<vmem_shared>>
        tpu.wait_indirect_dma semaphore(%run_scoped3A : memref<!tpu.dma_semaphore, #tpu.memory_space<semaphore_mem>>) src(%arg10 : memref<125x128xf32, #tpu.memory_space<vmem>>) dst(%dma_wait3A_117 : memref<5008x128xf32, #tpu.memory_space<vmem_shared>>)
        tpu.yield
      }) : () -> ()
      %dma_wait3A_82 = arith.constant 0 : i32
      %dma_wait3A_83 = tpu.memref_slice %arg8[%add3A_52, %dma_wait3A_82] : memref<80x125xi32, #tpu.memory_space<vmem>> -> memref<1x125xi32, #tpu.memory_space<vmem>>
      %dma_wait3A_84 = tpu.memref_squeeze %dma_wait3A_83 : memref<1x125xi32, #tpu.memory_space<vmem>> -> memref<125xi32, #tpu.memory_space<vmem>>
      %dma_wait3A_85 = arith.constant 0 : i32
      %dma_wait3A_86 = arith.constant 0 : i32
      %dma_wait3A_87 = tpu.memref_slice %arg2[%dma_wait3A_85, %dma_wait3A_86] : memref<5008x128xf32, #tpu.memory_space<hbm>> -> memref<5008x128xf32, #tpu.memory_space<hbm>>
      tpu.wait_indirect_dma semaphore(%arg16 : memref<!tpu.dma_semaphore, #tpu.memory_space<semaphore_mem>>) src(%dma_wait3A_87 : memref<5008x128xf32, #tpu.memory_space<hbm>>) dst(%arg11 : memref<125x128xf32, #tpu.memory_space<vmem>>)
      %add3A_88 = arith.constant 1 : i32
      %add3A_89 = arith.addi %mul3A_43, %add3A_88 : i32
      "tpu.region"() ({
        %run_scoped3A = tpu.sem_alloc : memref<!tpu.dma_semaphore, #tpu.memory_space<semaphore_mem>>
        %dma_start3A_106 = arith.constant 0 : i32
        %dma_start3A_107 = tpu.memref_slice %arg9[%add3A_89, %dma_start3A_106] : memref<80x125xi32, #tpu.memory_space<vmem>> -> memref<1x125xi32, #tpu.memory_space<vmem>>
        %dma_start3A_108 = tpu.memref_squeeze %dma_start3A_107 : memref<1x125xi32, #tpu.memory_space<vmem>> -> memref<125xi32, #tpu.memory_space<vmem>>
        %dma_start3A_109 = arith.constant 0 : i32
        %dma_start3A_110 = arith.constant 0 : i32
        %dma_start3A_111 = tpu.memref_slice %arg14[%dma_start3A_109, %dma_start3A_110] : memref<5008x128xf32, #tpu.memory_space<vmem_shared>> -> memref<5008x128xf32, #tpu.memory_space<vmem_shared>>
        tpu.enqueue_indirect_dma source(%arg11 : memref<125x128xf32, #tpu.memory_space<vmem>>) target(%dma_start3A_111 : memref<5008x128xf32, #tpu.memory_space<vmem_shared>>) offsets(%dma_start3A_108 : memref<125xi32, #tpu.memory_space<vmem>>) semaphore(%run_scoped3A : memref<!tpu.dma_semaphore, #tpu.memory_space<semaphore_mem>>) {add = true}
        %dma_wait3A_112 = arith.constant 0 : i32
        %dma_wait3A_113 = tpu.memref_slice %arg9[%add3A_89, %dma_wait3A_112] : memref<80x125xi32, #tpu.memory_space<vmem>> -> memref<1x125xi32, #tpu.memory_space<vmem>>
        %dma_wait3A_114 = tpu.memref_squeeze %dma_wait3A_113 : memref<1x125xi32, #tpu.memory_space<vmem>> -> memref<125xi32, #tpu.memory_space<vmem>>
        %dma_wait3A_115 = arith.constant 0 : i32
        %dma_wait3A_116 = arith.constant 0 : i32
        %dma_wait3A_117 = tpu.memref_slice %arg14[%dma_wait3A_115, %dma_wait3A_116] : memref<5008x128xf32, #tpu.memory_space<vmem_shared>> -> memref<5008x128xf32, #tpu.memory_space<vmem_shared>>
        tpu.wait_indirect_dma semaphore(%run_scoped3A : memref<!tpu.dma_semaphore, #tpu.memory_space<semaphore_mem>>) src(%arg11 : memref<125x128xf32, #tpu.memory_space<vmem>>) dst(%dma_wait3A_117 : memref<5008x128xf32, #tpu.memory_space<vmem_shared>>)
        tpu.yield
      }) : () -> ()
      %dma_wait3A_90 = arith.constant 0 : i32
      %dma_wait3A_91 = tpu.memref_slice %arg8[%add3A_60, %dma_wait3A_90] : memref<80x125xi32, #tpu.memory_space<vmem>> -> memref<1x125xi32, #tpu.memory_space<vmem>>
      %dma_wait3A_92 = tpu.memref_squeeze %dma_wait3A_91 : memref<1x125xi32, #tpu.memory_space<vmem>> -> memref<125xi32, #tpu.memory_space<vmem>>
      %dma_wait3A_93 = arith.constant 0 : i32
      %dma_wait3A_94 = arith.constant 0 : i32
      %dma_wait3A_95 = tpu.memref_slice %arg2[%dma_wait3A_93, %dma_wait3A_94] : memref<5008x128xf32, #tpu.memory_space<hbm>> -> memref<5008x128xf32, #tpu.memory_space<hbm>>
      tpu.wait_indirect_dma semaphore(%arg17 : memref<!tpu.dma_semaphore, #tpu.memory_space<semaphore_mem>>) src(%dma_wait3A_95 : memref<5008x128xf32, #tpu.memory_space<hbm>>) dst(%arg12 : memref<125x128xf32, #tpu.memory_space<vmem>>)
      %add3A_96 = arith.constant 2 : i32
      %add3A_97 = arith.addi %mul3A_43, %add3A_96 : i32
      "tpu.region"() ({
        %run_scoped3A = tpu.sem_alloc : memref<!tpu.dma_semaphore, #tpu.memory_space<semaphore_mem>>
        %dma_start3A_106 = arith.constant 0 : i32
        %dma_start3A_107 = tpu.memref_slice %arg9[%add3A_97, %dma_start3A_106] : memref<80x125xi32, #tpu.memory_space<vmem>> -> memref<1x125xi32, #tpu.memory_space<vmem>>
        %dma_start3A_108 = tpu.memref_squeeze %dma_start3A_107 : memref<1x125xi32, #tpu.memory_space<vmem>> -> memref<125xi32, #tpu.memory_space<vmem>>
        %dma_start3A_109 = arith.constant 0 : i32
        %dma_start3A_110 = arith.constant 0 : i32
        %dma_start3A_111 = tpu.memref_slice %arg14[%dma_start3A_109, %dma_start3A_110] : memref<5008x128xf32, #tpu.memory_space<vmem_shared>> -> memref<5008x128xf32, #tpu.memory_space<vmem_shared>>
        tpu.enqueue_indirect_dma source(%arg12 : memref<125x128xf32, #tpu.memory_space<vmem>>) target(%dma_start3A_111 : memref<5008x128xf32, #tpu.memory_space<vmem_shared>>) offsets(%dma_start3A_108 : memref<125xi32, #tpu.memory_space<vmem>>) semaphore(%run_scoped3A : memref<!tpu.dma_semaphore, #tpu.memory_space<semaphore_mem>>) {add = true}
        %dma_wait3A_112 = arith.constant 0 : i32
        %dma_wait3A_113 = tpu.memref_slice %arg9[%add3A_97, %dma_wait3A_112] : memref<80x125xi32, #tpu.memory_space<vmem>> -> memref<1x125xi32, #tpu.memory_space<vmem>>
        %dma_wait3A_114 = tpu.memref_squeeze %dma_wait3A_113 : memref<1x125xi32, #tpu.memory_space<vmem>> -> memref<125xi32, #tpu.memory_space<vmem>>
        %dma_wait3A_115 = arith.constant 0 : i32
        %dma_wait3A_116 = arith.constant 0 : i32
        %dma_wait3A_117 = tpu.memref_slice %arg14[%dma_wait3A_115, %dma_wait3A_116] : memref<5008x128xf32, #tpu.memory_space<vmem_shared>> -> memref<5008x128xf32, #tpu.memory_space<vmem_shared>>
        tpu.wait_indirect_dma semaphore(%run_scoped3A : memref<!tpu.dma_semaphore, #tpu.memory_space<semaphore_mem>>) src(%arg12 : memref<125x128xf32, #tpu.memory_space<vmem>>) dst(%dma_wait3A_117 : memref<5008x128xf32, #tpu.memory_space<vmem_shared>>)
        tpu.yield
      }) : () -> ()
      %dma_wait3A_98 = arith.constant 0 : i32
      %dma_wait3A_99 = tpu.memref_slice %arg8[%add3A_68, %dma_wait3A_98] : memref<80x125xi32, #tpu.memory_space<vmem>> -> memref<1x125xi32, #tpu.memory_space<vmem>>
      %dma_wait3A_100 = tpu.memref_squeeze %dma_wait3A_99 : memref<1x125xi32, #tpu.memory_space<vmem>> -> memref<125xi32, #tpu.memory_space<vmem>>
      %dma_wait3A_101 = arith.constant 0 : i32
      %dma_wait3A_102 = arith.constant 0 : i32
      %dma_wait3A_103 = tpu.memref_slice %arg2[%dma_wait3A_101, %dma_wait3A_102] : memref<5008x128xf32, #tpu.memory_space<hbm>> -> memref<5008x128xf32, #tpu.memory_space<hbm>>
      tpu.wait_indirect_dma semaphore(%arg18 : memref<!tpu.dma_semaphore, #tpu.memory_space<semaphore_mem>>) src(%dma_wait3A_103 : memref<5008x128xf32, #tpu.memory_space<hbm>>) dst(%arg13 : memref<125x128xf32, #tpu.memory_space<vmem>>)
      %add3A_104 = arith.constant 3 : i32
      %add3A_105 = arith.addi %mul3A_43, %add3A_104 : i32
      "tpu.region"() ({
        %run_scoped3A = tpu.sem_alloc : memref<!tpu.dma_semaphore, #tpu.memory_space<semaphore_mem>>
        %dma_start3A_106 = arith.constant 0 : i32
        %dma_start3A_107 = tpu.memref_slice %arg9[%add3A_105, %dma_start3A_106] : memref<80x125xi32, #tpu.memory_space<vmem>> -> memref<1x125xi32, #tpu.memory_space<vmem>>
        %dma_start3A_108 = tpu.memref_squeeze %dma_start3A_107 : memref<1x125xi32, #tpu.memory_space<vmem>> -> memref<125xi32, #tpu.memory_space<vmem>>
        %dma_start3A_109 = arith.constant 0 : i32
        %dma_start3A_110 = arith.constant 0 : i32
        %dma_start3A_111 = tpu.memref_slice %arg14[%dma_start3A_109, %dma_start3A_110] : memref<5008x128xf32, #tpu.memory_space<vmem_shared>> -> memref<5008x128xf32, #tpu.memory_space<vmem_shared>>
        tpu.enqueue_indirect_dma source(%arg13 : memref<125x128xf32, #tpu.memory_space<vmem>>) target(%dma_start3A_111 : memref<5008x128xf32, #tpu.memory_space<vmem_shared>>) offsets(%dma_start3A_108 : memref<125xi32, #tpu.memory_space<vmem>>) semaphore(%run_scoped3A : memref<!tpu.dma_semaphore, #tpu.memory_space<semaphore_mem>>) {add = true}
        %dma_wait3A_112 = arith.constant 0 : i32
        %dma_wait3A_113 = tpu.memref_slice %arg9[%add3A_105, %dma_wait3A_112] : memref<80x125xi32, #tpu.memory_space<vmem>> -> memref<1x125xi32, #tpu.memory_space<vmem>>
        %dma_wait3A_114 = tpu.memref_squeeze %dma_wait3A_113 : memref<1x125xi32, #tpu.memory_space<vmem>> -> memref<125xi32, #tpu.memory_space<vmem>>
        %dma_wait3A_115 = arith.constant 0 : i32
        %dma_wait3A_116 = arith.constant 0 : i32
        %dma_wait3A_117 = tpu.memref_slice %arg14[%dma_wait3A_115, %dma_wait3A_116] : memref<5008x128xf32, #tpu.memory_space<vmem_shared>> -> memref<5008x128xf32, #tpu.memory_space<vmem_shared>>
        tpu.wait_indirect_dma semaphore(%run_scoped3A : memref<!tpu.dma_semaphore, #tpu.memory_space<semaphore_mem>>) src(%arg13 : memref<125x128xf32, #tpu.memory_space<vmem>>) dst(%dma_wait3A_117 : memref<5008x128xf32, #tpu.memory_space<vmem_shared>>)
        tpu.yield
      }) : () -> ()
    }
    %scan3A_21 = arith.constant 20 : i32
    %barrier3A_22 = arith.constant 0 : index
    tpu.barrier barrier_id(%barrier3A_22)
    "tpu.region"() ({
      %run_scoped3A = tpu.sem_alloc : memref<!tpu.dma_semaphore, #tpu.memory_space<semaphore_mem>>
      %dma_start3A = arith.constant 0 : i32
      %dma_start3A_41 = tpu.memref_slice %arg6[%add3A_6, %dma_start3A] : memref<10016x128xf32, #tpu.memory_space<hbm>> -> memref<313x128xf32, #tpu.memory_space<hbm>>
      %dma_start3A_42 = arith.constant 0 : i32
      %dma_start3A_43 = tpu.memref_slice %arg14[%mul3A_3, %dma_start3A_42] : memref<5008x128xf32, #tpu.memory_space<vmem_shared>> -> memref<313x128xf32, #tpu.memory_space<vmem_shared>>
      tpu.enqueue_dma source(%dma_start3A_43 : memref<313x128xf32, #tpu.memory_space<vmem_shared>>) target(%dma_start3A_41 : memref<313x128xf32, #tpu.memory_space<hbm>>) target_semaphore(%run_scoped3A : memref<!tpu.dma_semaphore, #tpu.memory_space<semaphore_mem>>)
      %dma_wait3A = arith.constant 0 : i32
      %dma_wait3A_44 = tpu.memref_slice %arg6[%add3A_6, %dma_wait3A] : memref<10016x128xf32, #tpu.memory_space<hbm>> -> memref<313x128xf32, #tpu.memory_space<hbm>>
      %dma_wait3A_45 = arith.constant 0 : i32
      %dma_wait3A_46 = tpu.memref_slice %arg14[%mul3A_3, %dma_wait3A_45] : memref<5008x128xf32, #tpu.memory_space<vmem_shared>> -> memref<313x128xf32, #tpu.memory_space<vmem_shared>>
      tpu.wait_dma2 semaphore(%run_scoped3A : memref<!tpu.dma_semaphore, #tpu.memory_space<semaphore_mem>>) src(%dma_wait3A_46 : memref<313x128xf32, #tpu.memory_space<vmem_shared>>) dst(%dma_wait3A_44 : memref<313x128xf32, #tpu.memory_space<hbm>>)
      tpu.yield
    }) : () -> ()
    %scan3A_23 = arith.constant 0 : i32
    %scan3A_24 = arith.constant 0 : i32
    %scan3A_25 = arith.constant 125 : i32
    %scan3A_26 = arith.addi %scan3A_24, %scan3A_25 : i32
    %scan3A_27 = arith.constant 1 : i32
    scf.for %scan3A_41 = %scan3A_24 to %scan3A_26 step %scan3A_27  : i32 {
      %swap3A = arith.index_cast %scan3A_41 : i32 to index
      %swap3A_42 = arith.constant 0 : index
      %swap3A_43 = tpu.vector_load %arg10[%swap3A, %swap3A_42] {strides = array<i32>} : memref<125x128xf32, #tpu.memory_space<vmem>>, vector<16xf32>,
      tpu.vector_store %arg10[%swap3A, %swap3A_42], %broadcast_in_dim3A_1 {strides = array<i32>} : memref<125x128xf32, #tpu.memory_space<vmem>>, vector<16xf32>,
      %swap3A_44 = arith.index_cast %scan3A_41 : i32 to index
      %swap3A_45 = arith.constant 16 : index
      %swap3A_46 = tpu.vector_load %arg10[%swap3A_44, %swap3A_45] {strides = array<i32>} : memref<125x128xf32, #tpu.memory_space<vmem>>, vector<16xf32>,
      tpu.vector_store %arg10[%swap3A_44, %swap3A_45], %broadcast_in_dim3A_1 {strides = array<i32>} : memref<125x128xf32, #tpu.memory_space<vmem>>, vector<16xf32>,
      %swap3A_47 = arith.index_cast %scan3A_41 : i32 to index
      %swap3A_48 = arith.constant 32 : index
      %swap3A_49 = tpu.vector_load %arg10[%swap3A_47, %swap3A_48] {strides = array<i32>} : memref<125x128xf32, #tpu.memory_space<vmem>>, vector<16xf32>,
      tpu.vector_store %arg10[%swap3A_47, %swap3A_48], %broadcast_in_dim3A_1 {strides = array<i32>} : memref<125x128xf32, #tpu.memory_space<vmem>>, vector<16xf32>,
      %swap3A_50 = arith.index_cast %scan3A_41 : i32 to index
      %swap3A_51 = arith.constant 48 : index
      %swap3A_52 = tpu.vector_load %arg10[%swap3A_50, %swap3A_51] {strides = array<i32>} : memref<125x128xf32, #tpu.memory_space<vmem>>, vector<16xf32>,
      tpu.vector_store %arg10[%swap3A_50, %swap3A_51], %broadcast_in_dim3A_1 {strides = array<i32>} : memref<125x128xf32, #tpu.memory_space<vmem>>, vector<16xf32>,
      %swap3A_53 = arith.index_cast %scan3A_41 : i32 to index
      %swap3A_54 = arith.constant 64 : index
      %swap3A_55 = tpu.vector_load %arg10[%swap3A_53, %swap3A_54] {strides = array<i32>} : memref<125x128xf32, #tpu.memory_space<vmem>>, vector<16xf32>,
      tpu.vector_store %arg10[%swap3A_53, %swap3A_54], %broadcast_in_dim3A_1 {strides = array<i32>} : memref<125x128xf32, #tpu.memory_space<vmem>>, vector<16xf32>,
      %swap3A_56 = arith.index_cast %scan3A_41 : i32 to index
      %swap3A_57 = arith.constant 80 : index
      %swap3A_58 = tpu.vector_load %arg10[%swap3A_56, %swap3A_57] {strides = array<i32>} : memref<125x128xf32, #tpu.memory_space<vmem>>, vector<16xf32>,
      tpu.vector_store %arg10[%swap3A_56, %swap3A_57], %broadcast_in_dim3A_1 {strides = array<i32>} : memref<125x128xf32, #tpu.memory_space<vmem>>, vector<16xf32>,
      %swap3A_59 = arith.index_cast %scan3A_41 : i32 to index
      %swap3A_60 = arith.constant 96 : index
      %swap3A_61 = tpu.vector_load %arg10[%swap3A_59, %swap3A_60] {strides = array<i32>} : memref<125x128xf32, #tpu.memory_space<vmem>>, vector<16xf32>,
      tpu.vector_store %arg10[%swap3A_59, %swap3A_60], %broadcast_in_dim3A_1 {strides = array<i32>} : memref<125x128xf32, #tpu.memory_space<vmem>>, vector<16xf32>,
      %swap3A_62 = arith.index_cast %scan3A_41 : i32 to index
      %swap3A_63 = arith.constant 112 : index
      %swap3A_64 = tpu.vector_load %arg10[%swap3A_62, %swap3A_63] {strides = array<i32>} : memref<125x128xf32, #tpu.memory_space<vmem>>, vector<16xf32>,
      tpu.vector_store %arg10[%swap3A_62, %swap3A_63], %broadcast_in_dim3A_1 {strides = array<i32>} : memref<125x128xf32, #tpu.memory_space<vmem>>, vector<16xf32>,
    }
    %scan3A_28 = arith.constant 125 : i32
    "tpu.region"() ({
      %run_scoped3A = tpu.sem_alloc : memref<!tpu.dma_semaphore, #tpu.memory_space<semaphore_mem>>
      %dma_start3A = arith.constant 0 : i32
      %dma_start3A_41 = tpu.memref_slice %arg14[%mul3A_3, %dma_start3A] : memref<5008x128xf32, #tpu.memory_space<vmem_shared>> -> memref<125x128xf32, #tpu.memory_space<vmem_shared>>
      %dma_start3A_42 = arith.constant 0 : i32
      %dma_start3A_43 = tpu.memref_slice %arg14[%mul3A_3, %dma_start3A_42] : memref<5008x128xf32, #tpu.memory_space<vmem_shared>> -> memref<125x128xf32, #tpu.memory_space<vmem_shared>>
      tpu.enqueue_dma source(%arg10 : memref<125x128xf32, #tpu.memory_space<vmem>>) target(%dma_start3A_43 : memref<125x128xf32, #tpu.memory_space<vmem_shared>>) target_semaphore(%run_scoped3A : memref<!tpu.dma_semaphore, #tpu.memory_space<semaphore_mem>>)
      %dma_wait3A = arith.constant 0 : i32
      %dma_wait3A_44 = tpu.memref_slice %arg14[%mul3A_3, %dma_wait3A] : memref<5008x128xf32, #tpu.memory_space<vmem_shared>> -> memref<125x128xf32, #tpu.memory_space<vmem_shared>>
      %dma_wait3A_45 = arith.constant 0 : i32
      %dma_wait3A_46 = tpu.memref_slice %arg14[%mul3A_3, %dma_wait3A_45] : memref<5008x128xf32, #tpu.memory_space<vmem_shared>> -> memref<125x128xf32, #tpu.memory_space<vmem_shared>>
      tpu.wait_dma2 semaphore(%run_scoped3A : memref<!tpu.dma_semaphore, #tpu.memory_space<semaphore_mem>>) src(%arg10 : memref<125x128xf32, #tpu.memory_space<vmem>>) dst(%dma_wait3A_46 : memref<125x128xf32, #tpu.memory_space<vmem_shared>>)
      tpu.yield
    }) : () -> ()
    %add3A_29 = arith.constant 125 : i32
    %add3A_30 = arith.addi %mul3A_3, %add3A_29 : i32
    "tpu.region"() ({
      %run_scoped3A = tpu.sem_alloc : memref<!tpu.dma_semaphore, #tpu.memory_space<semaphore_mem>>
      %dma_start3A = arith.constant 0 : i32
      %dma_start3A_41 = tpu.memref_slice %arg14[%add3A_30, %dma_start3A] : memref<5008x128xf32, #tpu.memory_space<vmem_shared>> -> memref<125x128xf32, #tpu.memory_space<vmem_shared>>
      %dma_start3A_42 = arith.constant 0 : i32
      %dma_start3A_43 = tpu.memref_slice %arg14[%add3A_30, %dma_start3A_42] : memref<5008x128xf32, #tpu.memory_space<vmem_shared>> -> memref<125x128xf32, #tpu.memory_space<vmem_shared>>
      tpu.enqueue_dma source(%arg10 : memref<125x128xf32, #tpu.memory_space<vmem>>) target(%dma_start3A_43 : memref<125x128xf32, #tpu.memory_space<vmem_shared>>) target_semaphore(%run_scoped3A : memref<!tpu.dma_semaphore, #tpu.memory_space<semaphore_mem>>)
      %dma_wait3A = arith.constant 0 : i32
      %dma_wait3A_44 = tpu.memref_slice %arg14[%add3A_30, %dma_wait3A] : memref<5008x128xf32, #tpu.memory_space<vmem_shared>> -> memref<125x128xf32, #tpu.memory_space<vmem_shared>>
      %dma_wait3A_45 = arith.constant 0 : i32
      %dma_wait3A_46 = tpu.memref_slice %arg14[%add3A_30, %dma_wait3A_45] : memref<5008x128xf32, #tpu.memory_space<vmem_shared>> -> memref<125x128xf32, #tpu.memory_space<vmem_shared>>
      tpu.wait_dma2 semaphore(%run_scoped3A : memref<!tpu.dma_semaphore, #tpu.memory_space<semaphore_mem>>) src(%arg10 : memref<125x128xf32, #tpu.memory_space<vmem>>) dst(%dma_wait3A_46 : memref<125x128xf32, #tpu.memory_space<vmem_shared>>)
      tpu.yield
    }) : () -> ()
    %add3A_31 = arith.constant 250 : i32
    %add3A_32 = arith.addi %mul3A_3, %add3A_31 : i32
    "tpu.region"() ({
      %run_scoped3A = tpu.sem_alloc : memref<!tpu.dma_semaphore, #tpu.memory_space<semaphore_mem>>
      %dma_start3A = arith.constant 0 : i32
      %dma_start3A_41 = arith.constant 0 : i32
      %dma_start3A_42 = tpu.memref_slice %arg10[%dma_start3A, %dma_start3A_41] : memref<125x128xf32, #tpu.memory_space<vmem>> -> memref<63x128xf32, #tpu.memory_space<vmem>>
      %dma_start3A_43 = arith.constant 0 : i32
      %dma_start3A_44 = tpu.memref_slice %arg14[%add3A_32, %dma_start3A_43] : memref<5008x128xf32, #tpu.memory_space<vmem_shared>> -> memref<63x128xf32, #tpu.memory_space<vmem_shared>>
      %dma_start3A_45 = arith.constant 0 : i32
      %dma_start3A_46 = tpu.memref_slice %arg14[%add3A_32, %dma_start3A_45] : memref<5008x128xf32, #tpu.memory_space<vmem_shared>> -> memref<63x128xf32, #tpu.memory_space<vmem_shared>>
      %dma_start3A_47 = arith.constant 0 : i32
      %dma_start3A_48 = arith.constant 0 : i32
      %dma_start3A_49 = tpu.memref_slice %arg10[%dma_start3A_47, %dma_start3A_48] : memref<125x128xf32, #tpu.memory_space<vmem>> -> memref<63x128xf32, #tpu.memory_space<vmem>>
      tpu.enqueue_dma source(%dma_start3A_49 : memref<63x128xf32, #tpu.memory_space<vmem>>) target(%dma_start3A_46 : memref<63x128xf32, #tpu.memory_space<vmem_shared>>) target_semaphore(%run_scoped3A : memref<!tpu.dma_semaphore, #tpu.memory_space<semaphore_mem>>)
      %dma_wait3A = arith.constant 0 : i32
      %dma_wait3A_50 = arith.constant 0 : i32
      %dma_wait3A_51 = tpu.memref_slice %arg10[%dma_wait3A, %dma_wait3A_50] : memref<125x128xf32, #tpu.memory_space<vmem>> -> memref<63x128xf32, #tpu.memory_space<vmem>>
      %dma_wait3A_52 = arith.constant 0 : i32
      %dma_wait3A_53 = tpu.memref_slice %arg14[%add3A_32, %dma_wait3A_52] : memref<5008x128xf32, #tpu.memory_space<vmem_shared>> -> memref<63x128xf32, #tpu.memory_space<vmem_shared>>
      %dma_wait3A_54 = arith.constant 0 : i32
      %dma_wait3A_55 = tpu.memref_slice %arg14[%add3A_32, %dma_wait3A_54] : memref<5008x128xf32, #tpu.memory_space<vmem_shared>> -> memref<63x128xf32, #tpu.memory_space<vmem_shared>>
      %dma_wait3A_56 = arith.constant 0 : i32
      %dma_wait3A_57 = arith.constant 0 : i32
      %dma_wait3A_58 = tpu.memref_slice %arg10[%dma_wait3A_56, %dma_wait3A_57] : memref<125x128xf32, #tpu.memory_space<vmem>> -> memref<63x128xf32, #tpu.memory_space<vmem>>
      tpu.wait_dma2 semaphore(%run_scoped3A : memref<!tpu.dma_semaphore, #tpu.memory_space<semaphore_mem>>) src(%dma_wait3A_58 : memref<63x128xf32, #tpu.memory_space<vmem>>) dst(%dma_wait3A_55 : memref<63x128xf32, #tpu.memory_space<vmem_shared>>)
      tpu.yield
    }) : () -> ()
    %barrier3A_33 = arith.constant 0 : index
    tpu.barrier barrier_id(%barrier3A_33)
    %scan3A_34 = arith.constant 0 : i32
    %scan3A_35 = arith.constant 0 : i32
    %scan3A_36 = arith.constant 20 : i32
    %scan3A_37 = arith.addi %scan3A_35, %scan3A_36 : i32
    %scan3A_38 = arith.constant 1 : i32
    scf.for %scan3A_41 = %scan3A_35 to %scan3A_37 step %scan3A_38  : i32 {
      %mul3A_42 = arith.constant 4 : i32
      %mul3A_43 = arith.muli %mul3A_42, %scan3A_41 : i32
      %add3A_44 = arith.constant 0 : i32
      %add3A_45 = arith.addi %mul3A_43, %add3A_44 : i32
      %dma_start3A = arith.constant 0 : i32
      %dma_start3A_46 = tpu.memref_slice %arg9[%add3A_45, %dma_start3A] : memref<80x125xi32, #tpu.memory_space<vmem>> -> memref<1x125xi32, #tpu.memory_space<vmem>>
      %dma_start3A_47 = tpu.memref_squeeze %dma_start3A_46 : memref<1x125xi32, #tpu.memory_space<vmem>> -> memref<125xi32, #tpu.memory_space<vmem>>
      %dma_start3A_48 = arith.constant 0 : i32
      %dma_start3A_49 = arith.constant 0 : i32
      %dma_start3A_50 = tpu.memref_slice %arg3[%dma_start3A_48, %dma_start3A_49] : memref<5008x128xf32, #tpu.memory_space<hbm>> -> memref<5008x128xf32, #tpu.memory_space<hbm>>
      tpu.enqueue_indirect_dma source(%dma_start3A_50 : memref<5008x128xf32, #tpu.memory_space<hbm>>) target(%arg10 : memref<125x128xf32, #tpu.memory_space<vmem>>) offsets(%dma_start3A_47 : memref<125xi32, #tpu.memory_space<vmem>>) semaphore(%arg15 : memref<!tpu.dma_semaphore, #tpu.memory_space<semaphore_mem>>)
      %add3A_51 = arith.constant 1 : i32
      %add3A_52 = arith.addi %mul3A_43, %add3A_51 : i32
      %dma_start3A_53 = arith.constant 0 : i32
      %dma_start3A_54 = tpu.memref_slice %arg9[%add3A_52, %dma_start3A_53] : memref<80x125xi32, #tpu.memory_space<vmem>> -> memref<1x125xi32, #tpu.memory_space<vmem>>
      %dma_start3A_55 = tpu.memref_squeeze %dma_start3A_54 : memref<1x125xi32, #tpu.memory_space<vmem>> -> memref<125xi32, #tpu.memory_space<vmem>>
      %dma_start3A_56 = arith.constant 0 : i32
      %dma_start3A_57 = arith.constant 0 : i32
      %dma_start3A_58 = tpu.memref_slice %arg3[%dma_start3A_56, %dma_start3A_57] : memref<5008x128xf32, #tpu.memory_space<hbm>> -> memref<5008x128xf32, #tpu.memory_space<hbm>>
      tpu.enqueue_indirect_dma source(%dma_start3A_58 : memref<5008x128xf32, #tpu.memory_space<hbm>>) target(%arg11 : memref<125x128xf32, #tpu.memory_space<vmem>>) offsets(%dma_start3A_55 : memref<125xi32, #tpu.memory_space<vmem>>) semaphore(%arg16 : memref<!tpu.dma_semaphore, #tpu.memory_space<semaphore_mem>>)
      %add3A_59 = arith.constant 2 : i32
      %add3A_60 = arith.addi %mul3A_43, %add3A_59 : i32
      %dma_start3A_61 = arith.constant 0 : i32
      %dma_start3A_62 = tpu.memref_slice %arg9[%add3A_60, %dma_start3A_61] : memref<80x125xi32, #tpu.memory_space<vmem>> -> memref<1x125xi32, #tpu.memory_space<vmem>>
      %dma_start3A_63 = tpu.memref_squeeze %dma_start3A_62 : memref<1x125xi32, #tpu.memory_space<vmem>> -> memref<125xi32, #tpu.memory_space<vmem>>
      %dma_start3A_64 = arith.constant 0 : i32
      %dma_start3A_65 = arith.constant 0 : i32
      %dma_start3A_66 = tpu.memref_slice %arg3[%dma_start3A_64, %dma_start3A_65] : memref<5008x128xf32, #tpu.memory_space<hbm>> -> memref<5008x128xf32, #tpu.memory_space<hbm>>
      tpu.enqueue_indirect_dma source(%dma_start3A_66 : memref<5008x128xf32, #tpu.memory_space<hbm>>) target(%arg12 : memref<125x128xf32, #tpu.memory_space<vmem>>) offsets(%dma_start3A_63 : memref<125xi32, #tpu.memory_space<vmem>>) semaphore(%arg17 : memref<!tpu.dma_semaphore, #tpu.memory_space<semaphore_mem>>)
      %add3A_67 = arith.constant 3 : i32
      %add3A_68 = arith.addi %mul3A_43, %add3A_67 : i32
      %dma_start3A_69 = arith.constant 0 : i32
      %dma_start3A_70 = tpu.memref_slice %arg9[%add3A_68, %dma_start3A_69] : memref<80x125xi32, #tpu.memory_space<vmem>> -> memref<1x125xi32, #tpu.memory_space<vmem>>
      %dma_start3A_71 = tpu.memref_squeeze %dma_start3A_70 : memref<1x125xi32, #tpu.memory_space<vmem>> -> memref<125xi32, #tpu.memory_space<vmem>>
      %dma_start3A_72 = arith.constant 0 : i32
      %dma_start3A_73 = arith.constant 0 : i32
      %dma_start3A_74 = tpu.memref_slice %arg3[%dma_start3A_72, %dma_start3A_73] : memref<5008x128xf32, #tpu.memory_space<hbm>> -> memref<5008x128xf32, #tpu.memory_space<hbm>>
      tpu.enqueue_indirect_dma source(%dma_start3A_74 : memref<5008x128xf32, #tpu.memory_space<hbm>>) target(%arg13 : memref<125x128xf32, #tpu.memory_space<vmem>>) offsets(%dma_start3A_71 : memref<125xi32, #tpu.memory_space<vmem>>) semaphore(%arg18 : memref<!tpu.dma_semaphore, #tpu.memory_space<semaphore_mem>>)
      %dma_wait3A = arith.constant 0 : i32
      %dma_wait3A_75 = tpu.memref_slice %arg9[%add3A_45, %dma_wait3A] : memref<80x125xi32, #tpu.memory_space<vmem>> -> memref<1x125xi32, #tpu.memory_space<vmem>>
      %dma_wait3A_76 = tpu.memref_squeeze %dma_wait3A_75 : memref<1x125xi32, #tpu.memory_space<vmem>> -> memref<125xi32, #tpu.memory_space<vmem>>
      %dma_wait3A_77 = arith.constant 0 : i32
      %dma_wait3A_78 = arith.constant 0 : i32
      %dma_wait3A_79 = tpu.memref_slice %arg3[%dma_wait3A_77, %dma_wait3A_78] : memref<5008x128xf32, #tpu.memory_space<hbm>> -> memref<5008x128xf32, #tpu.memory_space<hbm>>
      tpu.wait_indirect_dma semaphore(%arg15 : memref<!tpu.dma_semaphore, #tpu.memory_space<semaphore_mem>>) src(%dma_wait3A_79 : memref<5008x128xf32, #tpu.memory_space<hbm>>) dst(%arg10 : memref<125x128xf32, #tpu.memory_space<vmem>>)
      %add3A_80 = arith.constant 0 : i32
      %add3A_81 = arith.addi %mul3A_43, %add3A_80 : i32
      "tpu.region"() ({
        %run_scoped3A = tpu.sem_alloc : memref<!tpu.dma_semaphore, #tpu.memory_space<semaphore_mem>>
        %dma_start3A_106 = arith.constant 0 : i32
        %dma_start3A_107 = tpu.memref_slice %arg8[%add3A_81, %dma_start3A_106] : memref<80x125xi32, #tpu.memory_space<vmem>> -> memref<1x125xi32, #tpu.memory_space<vmem>>
        %dma_start3A_108 = tpu.memref_squeeze %dma_start3A_107 : memref<1x125xi32, #tpu.memory_space<vmem>> -> memref<125xi32, #tpu.memory_space<vmem>>
        %dma_start3A_109 = arith.constant 0 : i32
        %dma_start3A_110 = arith.constant 0 : i32
        %dma_start3A_111 = tpu.memref_slice %arg14[%dma_start3A_109, %dma_start3A_110] : memref<5008x128xf32, #tpu.memory_space<vmem_shared>> -> memref<5008x128xf32, #tpu.memory_space<vmem_shared>>
        tpu.enqueue_indirect_dma source(%arg10 : memref<125x128xf32, #tpu.memory_space<vmem>>) target(%dma_start3A_111 : memref<5008x128xf32, #tpu.memory_space<vmem_shared>>) offsets(%dma_start3A_108 : memref<125xi32, #tpu.memory_space<vmem>>) semaphore(%run_scoped3A : memref<!tpu.dma_semaphore, #tpu.memory_space<semaphore_mem>>) {add = true}
        %dma_wait3A_112 = arith.constant 0 : i32
        %dma_wait3A_113 = tpu.memref_slice %arg8[%add3A_81, %dma_wait3A_112] : memref<80x125xi32, #tpu.memory_space<vmem>> -> memref<1x125xi32, #tpu.memory_space<vmem>>
        %dma_wait3A_114 = tpu.memref_squeeze %dma_wait3A_113 : memref<1x125xi32, #tpu.memory_space<vmem>> -> memref<125xi32, #tpu.memory_space<vmem>>
        %dma_wait3A_115 = arith.constant 0 : i32
        %dma_wait3A_116 = arith.constant 0 : i32
        %dma_wait3A_117 = tpu.memref_slice %arg14[%dma_wait3A_115, %dma_wait3A_116] : memref<5008x128xf32, #tpu.memory_space<vmem_shared>> -> memref<5008x128xf32, #tpu.memory_space<vmem_shared>>
        tpu.wait_indirect_dma semaphore(%run_scoped3A : memref<!tpu.dma_semaphore, #tpu.memory_space<semaphore_mem>>) src(%arg10 : memref<125x128xf32, #tpu.memory_space<vmem>>) dst(%dma_wait3A_117 : memref<5008x128xf32, #tpu.memory_space<vmem_shared>>)
        tpu.yield
      }) : () -> ()
      %dma_wait3A_82 = arith.constant 0 : i32
      %dma_wait3A_83 = tpu.memref_slice %arg9[%add3A_52, %dma_wait3A_82] : memref<80x125xi32, #tpu.memory_space<vmem>> -> memref<1x125xi32, #tpu.memory_space<vmem>>
      %dma_wait3A_84 = tpu.memref_squeeze %dma_wait3A_83 : memref<1x125xi32, #tpu.memory_space<vmem>> -> memref<125xi32, #tpu.memory_space<vmem>>
      %dma_wait3A_85 = arith.constant 0 : i32
      %dma_wait3A_86 = arith.constant 0 : i32
      %dma_wait3A_87 = tpu.memref_slice %arg3[%dma_wait3A_85, %dma_wait3A_86] : memref<5008x128xf32, #tpu.memory_space<hbm>> -> memref<5008x128xf32, #tpu.memory_space<hbm>>
      tpu.wait_indirect_dma semaphore(%arg16 : memref<!tpu.dma_semaphore, #tpu.memory_space<semaphore_mem>>) src(%dma_wait3A_87 : memref<5008x128xf32, #tpu.memory_space<hbm>>) dst(%arg11 : memref<125x128xf32, #tpu.memory_space<vmem>>)
      %add3A_88 = arith.constant 1 : i32
      %add3A_89 = arith.addi %mul3A_43, %add3A_88 : i32
      "tpu.region"() ({
        %run_scoped3A = tpu.sem_alloc : memref<!tpu.dma_semaphore, #tpu.memory_space<semaphore_mem>>
        %dma_start3A_106 = arith.constant 0 : i32
        %dma_start3A_107 = tpu.memref_slice %arg8[%add3A_89, %dma_start3A_106] : memref<80x125xi32, #tpu.memory_space<vmem>> -> memref<1x125xi32, #tpu.memory_space<vmem>>
        %dma_start3A_108 = tpu.memref_squeeze %dma_start3A_107 : memref<1x125xi32, #tpu.memory_space<vmem>> -> memref<125xi32, #tpu.memory_space<vmem>>
        %dma_start3A_109 = arith.constant 0 : i32
        %dma_start3A_110 = arith.constant 0 : i32
        %dma_start3A_111 = tpu.memref_slice %arg14[%dma_start3A_109, %dma_start3A_110] : memref<5008x128xf32, #tpu.memory_space<vmem_shared>> -> memref<5008x128xf32, #tpu.memory_space<vmem_shared>>
        tpu.enqueue_indirect_dma source(%arg11 : memref<125x128xf32, #tpu.memory_space<vmem>>) target(%dma_start3A_111 : memref<5008x128xf32, #tpu.memory_space<vmem_shared>>) offsets(%dma_start3A_108 : memref<125xi32, #tpu.memory_space<vmem>>) semaphore(%run_scoped3A : memref<!tpu.dma_semaphore, #tpu.memory_space<semaphore_mem>>) {add = true}
        %dma_wait3A_112 = arith.constant 0 : i32
        %dma_wait3A_113 = tpu.memref_slice %arg8[%add3A_89, %dma_wait3A_112] : memref<80x125xi32, #tpu.memory_space<vmem>> -> memref<1x125xi32, #tpu.memory_space<vmem>>
        %dma_wait3A_114 = tpu.memref_squeeze %dma_wait3A_113 : memref<1x125xi32, #tpu.memory_space<vmem>> -> memref<125xi32, #tpu.memory_space<vmem>>
        %dma_wait3A_115 = arith.constant 0 : i32
        %dma_wait3A_116 = arith.constant 0 : i32
        %dma_wait3A_117 = tpu.memref_slice %arg14[%dma_wait3A_115, %dma_wait3A_116] : memref<5008x128xf32, #tpu.memory_space<vmem_shared>> -> memref<5008x128xf32, #tpu.memory_space<vmem_shared>>
        tpu.wait_indirect_dma semaphore(%run_scoped3A : memref<!tpu.dma_semaphore, #tpu.memory_space<semaphore_mem>>) src(%arg11 : memref<125x128xf32, #tpu.memory_space<vmem>>) dst(%dma_wait3A_117 : memref<5008x128xf32, #tpu.memory_space<vmem_shared>>)
        tpu.yield
      }) : () -> ()
      %dma_wait3A_90 = arith.constant 0 : i32
      %dma_wait3A_91 = tpu.memref_slice %arg9[%add3A_60, %dma_wait3A_90] : memref<80x125xi32, #tpu.memory_space<vmem>> -> memref<1x125xi32, #tpu.memory_space<vmem>>
      %dma_wait3A_92 = tpu.memref_squeeze %dma_wait3A_91 : memref<1x125xi32, #tpu.memory_space<vmem>> -> memref<125xi32, #tpu.memory_space<vmem>>
      %dma_wait3A_93 = arith.constant 0 : i32
      %dma_wait3A_94 = arith.constant 0 : i32
      %dma_wait3A_95 = tpu.memref_slice %arg3[%dma_wait3A_93, %dma_wait3A_94] : memref<5008x128xf32, #tpu.memory_space<hbm>> -> memref<5008x128xf32, #tpu.memory_space<hbm>>
      tpu.wait_indirect_dma semaphore(%arg17 : memref<!tpu.dma_semaphore, #tpu.memory_space<semaphore_mem>>) src(%dma_wait3A_95 : memref<5008x128xf32, #tpu.memory_space<hbm>>) dst(%arg12 : memref<125x128xf32, #tpu.memory_space<vmem>>)
      %add3A_96 = arith.constant 2 : i32
      %add3A_97 = arith.addi %mul3A_43, %add3A_96 : i32
      "tpu.region"() ({
        %run_scoped3A = tpu.sem_alloc : memref<!tpu.dma_semaphore, #tpu.memory_space<semaphore_mem>>
        %dma_start3A_106 = arith.constant 0 : i32
        %dma_start3A_107 = tpu.memref_slice %arg8[%add3A_97, %dma_start3A_106] : memref<80x125xi32, #tpu.memory_space<vmem>> -> memref<1x125xi32, #tpu.memory_space<vmem>>
        %dma_start3A_108 = tpu.memref_squeeze %dma_start3A_107 : memref<1x125xi32, #tpu.memory_space<vmem>> -> memref<125xi32, #tpu.memory_space<vmem>>
        %dma_start3A_109 = arith.constant 0 : i32
        %dma_start3A_110 = arith.constant 0 : i32
        %dma_start3A_111 = tpu.memref_slice %arg14[%dma_start3A_109, %dma_start3A_110] : memref<5008x128xf32, #tpu.memory_space<vmem_shared>> -> memref<5008x128xf32, #tpu.memory_space<vmem_shared>>
        tpu.enqueue_indirect_dma source(%arg12 : memref<125x128xf32, #tpu.memory_space<vmem>>) target(%dma_start3A_111 : memref<5008x128xf32, #tpu.memory_space<vmem_shared>>) offsets(%dma_start3A_108 : memref<125xi32, #tpu.memory_space<vmem>>) semaphore(%run_scoped3A : memref<!tpu.dma_semaphore, #tpu.memory_space<semaphore_mem>>) {add = true}
        %dma_wait3A_112 = arith.constant 0 : i32
        %dma_wait3A_113 = tpu.memref_slice %arg8[%add3A_97, %dma_wait3A_112] : memref<80x125xi32, #tpu.memory_space<vmem>> -> memref<1x125xi32, #tpu.memory_space<vmem>>
        %dma_wait3A_114 = tpu.memref_squeeze %dma_wait3A_113 : memref<1x125xi32, #tpu.memory_space<vmem>> -> memref<125xi32, #tpu.memory_space<vmem>>
        %dma_wait3A_115 = arith.constant 0 : i32
        %dma_wait3A_116 = arith.constant 0 : i32
        %dma_wait3A_117 = tpu.memref_slice %arg14[%dma_wait3A_115, %dma_wait3A_116] : memref<5008x128xf32, #tpu.memory_space<vmem_shared>> -> memref<5008x128xf32, #tpu.memory_space<vmem_shared>>
        tpu.wait_indirect_dma semaphore(%run_scoped3A : memref<!tpu.dma_semaphore, #tpu.memory_space<semaphore_mem>>) src(%arg12 : memref<125x128xf32, #tpu.memory_space<vmem>>) dst(%dma_wait3A_117 : memref<5008x128xf32, #tpu.memory_space<vmem_shared>>)
        tpu.yield
      }) : () -> ()
      %dma_wait3A_98 = arith.constant 0 : i32
      %dma_wait3A_99 = tpu.memref_slice %arg9[%add3A_68, %dma_wait3A_98] : memref<80x125xi32, #tpu.memory_space<vmem>> -> memref<1x125xi32, #tpu.memory_space<vmem>>
      %dma_wait3A_100 = tpu.memref_squeeze %dma_wait3A_99 : memref<1x125xi32, #tpu.memory_space<vmem>> -> memref<125xi32, #tpu.memory_space<vmem>>
      %dma_wait3A_101 = arith.constant 0 : i32
      %dma_wait3A_102 = arith.constant 0 : i32
      %dma_wait3A_103 = tpu.memref_slice %arg3[%dma_wait3A_101, %dma_wait3A_102] : memref<5008x128xf32, #tpu.memory_space<hbm>> -> memref<5008x128xf32, #tpu.memory_space<hbm>>
      tpu.wait_indirect_dma semaphore(%arg18 : memref<!tpu.dma_semaphore, #tpu.memory_space<semaphore_mem>>) src(%dma_wait3A_103 : memref<5008x128xf32, #tpu.memory_space<hbm>>) dst(%arg13 : memref<125x128xf32, #tpu.memory_space<vmem>>)
      %add3A_104 = arith.constant 3 : i32
      %add3A_105 = arith.addi %mul3A_43, %add3A_104 : i32
      "tpu.region"() ({
        %run_scoped3A = tpu.sem_alloc : memref<!tpu.dma_semaphore, #tpu.memory_space<semaphore_mem>>
        %dma_start3A_106 = arith.constant 0 : i32
        %dma_start3A_107 = tpu.memref_slice %arg8[%add3A_105, %dma_start3A_106] : memref<80x125xi32, #tpu.memory_space<vmem>> -> memref<1x125xi32, #tpu.memory_space<vmem>>
        %dma_start3A_108 = tpu.memref_squeeze %dma_start3A_107 : memref<1x125xi32, #tpu.memory_space<vmem>> -> memref<125xi32, #tpu.memory_space<vmem>>
        %dma_start3A_109 = arith.constant 0 : i32
        %dma_start3A_110 = arith.constant 0 : i32
        %dma_start3A_111 = tpu.memref_slice %arg14[%dma_start3A_109, %dma_start3A_110] : memref<5008x128xf32, #tpu.memory_space<vmem_shared>> -> memref<5008x128xf32, #tpu.memory_space<vmem_shared>>
        tpu.enqueue_indirect_dma source(%arg13 : memref<125x128xf32, #tpu.memory_space<vmem>>) target(%dma_start3A_111 : memref<5008x128xf32, #tpu.memory_space<vmem_shared>>) offsets(%dma_start3A_108 : memref<125xi32, #tpu.memory_space<vmem>>) semaphore(%run_scoped3A : memref<!tpu.dma_semaphore, #tpu.memory_space<semaphore_mem>>) {add = true}
        %dma_wait3A_112 = arith.constant 0 : i32
        %dma_wait3A_113 = tpu.memref_slice %arg8[%add3A_105, %dma_wait3A_112] : memref<80x125xi32, #tpu.memory_space<vmem>> -> memref<1x125xi32, #tpu.memory_space<vmem>>
        %dma_wait3A_114 = tpu.memref_squeeze %dma_wait3A_113 : memref<1x125xi32, #tpu.memory_space<vmem>> -> memref<125xi32, #tpu.memory_space<vmem>>
        %dma_wait3A_115 = arith.constant 0 : i32
        %dma_wait3A_116 = arith.constant 0 : i32
        %dma_wait3A_117 = tpu.memref_slice %arg14[%dma_wait3A_115, %dma_wait3A_116] : memref<5008x128xf32, #tpu.memory_space<vmem_shared>> -> memref<5008x128xf32, #tpu.memory_space<vmem_shared>>
        tpu.wait_indirect_dma semaphore(%run_scoped3A : memref<!tpu.dma_semaphore, #tpu.memory_space<semaphore_mem>>) src(%arg13 : memref<125x128xf32, #tpu.memory_space<vmem>>) dst(%dma_wait3A_117 : memref<5008x128xf32, #tpu.memory_space<vmem_shared>>)
        tpu.yield
      }) : () -> ()
    }
    %scan3A_39 = arith.constant 20 : i32
    %barrier3A_40 = arith.constant 0 : index
    tpu.barrier barrier_id(%barrier3A_40)
    "tpu.region"() ({
      %run_scoped3A = tpu.sem_alloc : memref<!tpu.dma_semaphore, #tpu.memory_space<semaphore_mem>>
      %dma_start3A = arith.constant 0 : i32
      %dma_start3A_41 = tpu.memref_slice %arg7[%add3A_6, %dma_start3A] : memref<10016x128xf32, #tpu.memory_space<hbm>> -> memref<313x128xf32, #tpu.memory_space<hbm>>
      %dma_start3A_42 = arith.constant 0 : i32
      %dma_start3A_43 = tpu.memref_slice %arg14[%mul3A_3, %dma_start3A_42] : memref<5008x128xf32, #tpu.memory_space<vmem_shared>> -> memref<313x128xf32, #tpu.memory_space<vmem_shared>>
      tpu.enqueue_dma source(%dma_start3A_43 : memref<313x128xf32, #tpu.memory_space<vmem_shared>>) target(%dma_start3A_41 : memref<313x128xf32, #tpu.memory_space<hbm>>) target_semaphore(%run_scoped3A : memref<!tpu.dma_semaphore, #tpu.memory_space<semaphore_mem>>)
      %dma_wait3A = arith.constant 0 : i32
      %dma_wait3A_44 = tpu.memref_slice %arg7[%add3A_6, %dma_wait3A] : memref<10016x128xf32, #tpu.memory_space<hbm>> -> memref<313x128xf32, #tpu.memory_space<hbm>>
      %dma_wait3A_45 = arith.constant 0 : i32
      %dma_wait3A_46 = tpu.memref_slice %arg14[%mul3A_3, %dma_wait3A_45] : memref<5008x128xf32, #tpu.memory_space<vmem_shared>> -> memref<313x128xf32, #tpu.memory_space<vmem_shared>>
      tpu.wait_dma2 semaphore(%run_scoped3A : memref<!tpu.dma_semaphore, #tpu.memory_space<semaphore_mem>>) src(%dma_wait3A_46 : memref<313x128xf32, #tpu.memory_space<vmem_shared>>) dst(%dma_wait3A_44 : memref<313x128xf32, #tpu.memory_space<hbm>>)
      tpu.yield
    }) : () -> ()
    return
  }
}

#map = affine_map<(d0, d1) -> (0, 0)>
module attributes {stable_mosaic.version = 14 : i64} {
  func.func @_hist_body(%arg0: i32, %arg1: i32, %arg2: memref<32x10000xi32, #tpu.memory_space<hbm>>, %arg3: memref<32x10000xi32, #tpu.memory_space<hbm>>, %arg4: memref<64x5120xf32, #tpu.memory_space<hbm>>, %arg5: memref<10000xi32, #tpu.memory_space<vmem>>, %arg6: memref<81920xf32, #tpu.memory_space<vmem>>, %arg7: memref<10240xf32, #tpu.memory_space<vmem>>) attributes {dimension_semantics = [#tpu.dimension_semantics<core_parallel>, #tpu.dimension_semantics<subcore_parallel>], iteration_bounds = array<i64: 2, 16>, scalar_prefetch = 0 : i64, scratch_operands = 3 : i64, tpu.core_type = #tpu.core_type<sc_vector_subcore>, window_params = [{transform_indices = #map}, {transform_indices = #map}, {transform_indices = #map}]} {
    %mul3A = arith.constant 16 : i32
    %mul3A_0 = arith.muli %arg0, %mul3A : i32
    %add3A = arith.addi %mul3A_0, %arg1 : i32
    %iota3A = tpu.iota {dimensions = array<i32: 0>} : vector<16xi32>
    %broadcast_in_dim3A = arith.constant 1.000000e+00 : f32
    %broadcast_in_dim3A_1 = vector.broadcast %broadcast_in_dim3A : f32 to vector<16xf32>
    %broadcast_in_dim3A_2 = arith.constant 0.000000e+00 : f32
    %broadcast_in_dim3A_3 = vector.broadcast %broadcast_in_dim3A_2 : f32 to vector<16xf32>
    "tpu.region"() ({
      %run_scoped3A = tpu.sem_alloc : memref<!tpu.dma_semaphore, #tpu.memory_space<semaphore_mem>>
      %dma_start3A = arith.constant 0 : i32
      %dma_start3A_41 = tpu.memref_slice %arg2[%add3A, %dma_start3A] : memref<32x10000xi32, #tpu.memory_space<hbm>> -> memref<1x10000xi32, #tpu.memory_space<hbm>>
      %dma_start3A_42 = tpu.memref_squeeze %dma_start3A_41 : memref<1x10000xi32, #tpu.memory_space<hbm>> -> memref<10000xi32, #tpu.memory_space<hbm>>
      %dma_start3A_43 = arith.constant 0 : i32
      %dma_start3A_44 = tpu.memref_slice %arg2[%add3A, %dma_start3A_43] : memref<32x10000xi32, #tpu.memory_space<hbm>> -> memref<1x10000xi32, #tpu.memory_space<hbm>>
      %dma_start3A_45 = tpu.memref_squeeze %dma_start3A_44 : memref<1x10000xi32, #tpu.memory_space<hbm>> -> memref<10000xi32, #tpu.memory_space<hbm>>
      tpu.enqueue_dma source(%dma_start3A_45 : memref<10000xi32, #tpu.memory_space<hbm>>) target(%arg5 : memref<10000xi32, #tpu.memory_space<vmem>>) target_semaphore(%run_scoped3A : memref<!tpu.dma_semaphore, #tpu.memory_space<semaphore_mem>>)
      %dma_wait3A = arith.constant 0 : i32
      %dma_wait3A_46 = tpu.memref_slice %arg2[%add3A, %dma_wait3A] : memref<32x10000xi32, #tpu.memory_space<hbm>> -> memref<1x10000xi32, #tpu.memory_space<hbm>>
      %dma_wait3A_47 = tpu.memref_squeeze %dma_wait3A_46 : memref<1x10000xi32, #tpu.memory_space<hbm>> -> memref<10000xi32, #tpu.memory_space<hbm>>
      %dma_wait3A_48 = arith.constant 0 : i32
      %dma_wait3A_49 = tpu.memref_slice %arg2[%add3A, %dma_wait3A_48] : memref<32x10000xi32, #tpu.memory_space<hbm>> -> memref<1x10000xi32, #tpu.memory_space<hbm>>
      %dma_wait3A_50 = tpu.memref_squeeze %dma_wait3A_49 : memref<1x10000xi32, #tpu.memory_space<hbm>> -> memref<10000xi32, #tpu.memory_space<hbm>>
      tpu.wait_dma2 semaphore(%run_scoped3A : memref<!tpu.dma_semaphore, #tpu.memory_space<semaphore_mem>>) src(%dma_wait3A_50 : memref<10000xi32, #tpu.memory_space<hbm>>) dst(%arg5 : memref<10000xi32, #tpu.memory_space<vmem>>)
      tpu.yield
    }) : () -> ()
    %scan3A = arith.constant 0 : i32
    %scan3A_4 = arith.constant 0 : i32
    %scan3A_5 = arith.constant 640 : i32
    %scan3A_6 = arith.addi %scan3A_4, %scan3A_5 : i32
    %scan3A_7 = arith.constant 1 : i32
    scf.for %scan3A_41 = %scan3A_4 to %scan3A_6 step %scan3A_7  : i32 {
      %mul3A_42 = arith.constant 8 : i32
      %mul3A_43 = arith.muli %scan3A_41, %mul3A_42 : i32
      %add3A_44 = arith.constant 0 : i32
      %add3A_45 = arith.addi %mul3A_43, %add3A_44 : i32
      %mul3A_46 = arith.constant 16 : i32
      %mul3A_47 = arith.muli %add3A_45, %mul3A_46 : i32
      %swap3A = arith.index_cast %mul3A_47 : i32 to index
      %swap3A_48 = tpu.vector_load %arg6[%swap3A] {strides = array<i32>} : memref<81920xf32, #tpu.memory_space<vmem>>, vector<16xf32>,
      tpu.vector_store %arg6[%swap3A], %broadcast_in_dim3A_3 {strides = array<i32>} : memref<81920xf32, #tpu.memory_space<vmem>>, vector<16xf32>,
      %mul3A_49 = arith.constant 8 : i32
      %mul3A_50 = arith.muli %scan3A_41, %mul3A_49 : i32
      %add3A_51 = arith.constant 1 : i32
      %add3A_52 = arith.addi %mul3A_50, %add3A_51 : i32
      %mul3A_53 = arith.constant 16 : i32
      %mul3A_54 = arith.muli %add3A_52, %mul3A_53 : i32
      %swap3A_55 = arith.index_cast %mul3A_54 : i32 to index
      %swap3A_56 = tpu.vector_load %arg6[%swap3A_55] {strides = array<i32>} : memref<81920xf32, #tpu.memory_space<vmem>>, vector<16xf32>,
      tpu.vector_store %arg6[%swap3A_55], %broadcast_in_dim3A_3 {strides = array<i32>} : memref<81920xf32, #tpu.memory_space<vmem>>, vector<16xf32>,
      %mul3A_57 = arith.constant 8 : i32
      %mul3A_58 = arith.muli %scan3A_41, %mul3A_57 : i32
      %add3A_59 = arith.constant 2 : i32
      %add3A_60 = arith.addi %mul3A_58, %add3A_59 : i32
      %mul3A_61 = arith.constant 16 : i32
      %mul3A_62 = arith.muli %add3A_60, %mul3A_61 : i32
      %swap3A_63 = arith.index_cast %mul3A_62 : i32 to index
      %swap3A_64 = tpu.vector_load %arg6[%swap3A_63] {strides = array<i32>} : memref<81920xf32, #tpu.memory_space<vmem>>, vector<16xf32>,
      tpu.vector_store %arg6[%swap3A_63], %broadcast_in_dim3A_3 {strides = array<i32>} : memref<81920xf32, #tpu.memory_space<vmem>>, vector<16xf32>,
      %mul3A_65 = arith.constant 8 : i32
      %mul3A_66 = arith.muli %scan3A_41, %mul3A_65 : i32
      %add3A_67 = arith.constant 3 : i32
      %add3A_68 = arith.addi %mul3A_66, %add3A_67 : i32
      %mul3A_69 = arith.constant 16 : i32
      %mul3A_70 = arith.muli %add3A_68, %mul3A_69 : i32
      %swap3A_71 = arith.index_cast %mul3A_70 : i32 to index
      %swap3A_72 = tpu.vector_load %arg6[%swap3A_71] {strides = array<i32>} : memref<81920xf32, #tpu.memory_space<vmem>>, vector<16xf32>,
      tpu.vector_store %arg6[%swap3A_71], %broadcast_in_dim3A_3 {strides = array<i32>} : memref<81920xf32, #tpu.memory_space<vmem>>, vector<16xf32>,
      %mul3A_73 = arith.constant 8 : i32
      %mul3A_74 = arith.muli %scan3A_41, %mul3A_73 : i32
      %add3A_75 = arith.constant 4 : i32
      %add3A_76 = arith.addi %mul3A_74, %add3A_75 : i32
      %mul3A_77 = arith.constant 16 : i32
      %mul3A_78 = arith.muli %add3A_76, %mul3A_77 : i32
      %swap3A_79 = arith.index_cast %mul3A_78 : i32 to index
      %swap3A_80 = tpu.vector_load %arg6[%swap3A_79] {strides = array<i32>} : memref<81920xf32, #tpu.memory_space<vmem>>, vector<16xf32>,
      tpu.vector_store %arg6[%swap3A_79], %broadcast_in_dim3A_3 {strides = array<i32>} : memref<81920xf32, #tpu.memory_space<vmem>>, vector<16xf32>,
      %mul3A_81 = arith.constant 8 : i32
      %mul3A_82 = arith.muli %scan3A_41, %mul3A_81 : i32
      %add3A_83 = arith.constant 5 : i32
      %add3A_84 = arith.addi %mul3A_82, %add3A_83 : i32
      %mul3A_85 = arith.constant 16 : i32
      %mul3A_86 = arith.muli %add3A_84, %mul3A_85 : i32
      %swap3A_87 = arith.index_cast %mul3A_86 : i32 to index
      %swap3A_88 = tpu.vector_load %arg6[%swap3A_87] {strides = array<i32>} : memref<81920xf32, #tpu.memory_space<vmem>>, vector<16xf32>,
      tpu.vector_store %arg6[%swap3A_87], %broadcast_in_dim3A_3 {strides = array<i32>} : memref<81920xf32, #tpu.memory_space<vmem>>, vector<16xf32>,
      %mul3A_89 = arith.constant 8 : i32
      %mul3A_90 = arith.muli %scan3A_41, %mul3A_89 : i32
      %add3A_91 = arith.constant 6 : i32
      %add3A_92 = arith.addi %mul3A_90, %add3A_91 : i32
      %mul3A_93 = arith.constant 16 : i32
      %mul3A_94 = arith.muli %add3A_92, %mul3A_93 : i32
      %swap3A_95 = arith.index_cast %mul3A_94 : i32 to index
      %swap3A_96 = tpu.vector_load %arg6[%swap3A_95] {strides = array<i32>} : memref<81920xf32, #tpu.memory_space<vmem>>, vector<16xf32>,
      tpu.vector_store %arg6[%swap3A_95], %broadcast_in_dim3A_3 {strides = array<i32>} : memref<81920xf32, #tpu.memory_space<vmem>>, vector<16xf32>,
      %mul3A_97 = arith.constant 8 : i32
      %mul3A_98 = arith.muli %scan3A_41, %mul3A_97 : i32
      %add3A_99 = arith.constant 7 : i32
      %add3A_100 = arith.addi %mul3A_98, %add3A_99 : i32
      %mul3A_101 = arith.constant 16 : i32
      %mul3A_102 = arith.muli %add3A_100, %mul3A_101 : i32
      %swap3A_103 = arith.index_cast %mul3A_102 : i32 to index
      %swap3A_104 = tpu.vector_load %arg6[%swap3A_103] {strides = array<i32>} : memref<81920xf32, #tpu.memory_space<vmem>>, vector<16xf32>,
      tpu.vector_store %arg6[%swap3A_103], %broadcast_in_dim3A_3 {strides = array<i32>} : memref<81920xf32, #tpu.memory_space<vmem>>, vector<16xf32>,
    }
    %scan3A_8 = arith.constant 640 : i32
    %scan3A_9 = arith.constant 0 : i32
    %scan3A_10 = arith.constant 0 : i32
    %scan3A_11 = arith.constant 125 : i32
    %scan3A_12 = arith.addi %scan3A_10, %scan3A_11 : i32
    %scan3A_13 = arith.constant 1 : i32
    scf.for %scan3A_41 = %scan3A_10 to %scan3A_12 step %scan3A_13  : i32 {
      %mul3A_42 = arith.constant 5 : i32
      %mul3A_43 = arith.muli %scan3A_41, %mul3A_42 : i32
      %add3A_44 = arith.constant 0 : i32
      %add3A_45 = arith.addi %mul3A_43, %add3A_44 : i32
      %mul3A_46 = arith.constant 16 : i32
      %mul3A_47 = arith.muli %add3A_45, %mul3A_46 : i32
      %get3A = arith.index_cast %mul3A_47 : i32 to index
      %get3A_48 = tpu.vector_load %arg5[%get3A] {strides = array<i32>} : memref<10000xi32, #tpu.memory_space<vmem>>, vector<16xi32>,
      %mul3A_49 = arith.constant 5120 : i32
      %mul3A_50 = vector.broadcast %mul3A_49 : i32 to vector<16xi32>
      %mul3A_51 = arith.muli %iota3A, %mul3A_50 : vector<16xi32>
      %add3A_52 = arith.addi %mul3A_51, %get3A_48 : vector<16xi32>
      tpu.vector_store_idx %arg6[%add3A_52], %broadcast_in_dim3A_1 {add = true} : memref<81920xf32, #tpu.memory_space<vmem>>[vector<16xi32>], vector<16xf32>,
      %mul3A_53 = arith.constant 5 : i32
      %mul3A_54 = arith.muli %scan3A_41, %mul3A_53 : i32
      %add3A_55 = arith.constant 1 : i32
      %add3A_56 = arith.addi %mul3A_54, %add3A_55 : i32
      %mul3A_57 = arith.constant 16 : i32
      %mul3A_58 = arith.muli %add3A_56, %mul3A_57 : i32
      %get3A_59 = arith.index_cast %mul3A_58 : i32 to index
      %get3A_60 = tpu.vector_load %arg5[%get3A_59] {strides = array<i32>} : memref<10000xi32, #tpu.memory_space<vmem>>, vector<16xi32>,
      %mul3A_61 = arith.constant 5120 : i32
      %mul3A_62 = vector.broadcast %mul3A_61 : i32 to vector<16xi32>
      %mul3A_63 = arith.muli %iota3A, %mul3A_62 : vector<16xi32>
      %add3A_64 = arith.addi %mul3A_63, %get3A_60 : vector<16xi32>
      tpu.vector_store_idx %arg6[%add3A_64], %broadcast_in_dim3A_1 {add = true} : memref<81920xf32, #tpu.memory_space<vmem>>[vector<16xi32>], vector<16xf32>,
      %mul3A_65 = arith.constant 5 : i32
      %mul3A_66 = arith.muli %scan3A_41, %mul3A_65 : i32
      %add3A_67 = arith.constant 2 : i32
      %add3A_68 = arith.addi %mul3A_66, %add3A_67 : i32
      %mul3A_69 = arith.constant 16 : i32
      %mul3A_70 = arith.muli %add3A_68, %mul3A_69 : i32
      %get3A_71 = arith.index_cast %mul3A_70 : i32 to index
      %get3A_72 = tpu.vector_load %arg5[%get3A_71] {strides = array<i32>} : memref<10000xi32, #tpu.memory_space<vmem>>, vector<16xi32>,
      %mul3A_73 = arith.constant 5120 : i32
      %mul3A_74 = vector.broadcast %mul3A_73 : i32 to vector<16xi32>
      %mul3A_75 = arith.muli %iota3A, %mul3A_74 : vector<16xi32>
      %add3A_76 = arith.addi %mul3A_75, %get3A_72 : vector<16xi32>
      tpu.vector_store_idx %arg6[%add3A_76], %broadcast_in_dim3A_1 {add = true} : memref<81920xf32, #tpu.memory_space<vmem>>[vector<16xi32>], vector<16xf32>,
      %mul3A_77 = arith.constant 5 : i32
      %mul3A_78 = arith.muli %scan3A_41, %mul3A_77 : i32
      %add3A_79 = arith.constant 3 : i32
      %add3A_80 = arith.addi %mul3A_78, %add3A_79 : i32
      %mul3A_81 = arith.constant 16 : i32
      %mul3A_82 = arith.muli %add3A_80, %mul3A_81 : i32
      %get3A_83 = arith.index_cast %mul3A_82 : i32 to index
      %get3A_84 = tpu.vector_load %arg5[%get3A_83] {strides = array<i32>} : memref<10000xi32, #tpu.memory_space<vmem>>, vector<16xi32>,
      %mul3A_85 = arith.constant 5120 : i32
      %mul3A_86 = vector.broadcast %mul3A_85 : i32 to vector<16xi32>
      %mul3A_87 = arith.muli %iota3A, %mul3A_86 : vector<16xi32>
      %add3A_88 = arith.addi %mul3A_87, %get3A_84 : vector<16xi32>
      tpu.vector_store_idx %arg6[%add3A_88], %broadcast_in_dim3A_1 {add = true} : memref<81920xf32, #tpu.memory_space<vmem>>[vector<16xi32>], vector<16xf32>,
      %mul3A_89 = arith.constant 5 : i32
      %mul3A_90 = arith.muli %scan3A_41, %mul3A_89 : i32
      %add3A_91 = arith.constant 4 : i32
      %add3A_92 = arith.addi %mul3A_90, %add3A_91 : i32
      %mul3A_93 = arith.constant 16 : i32
      %mul3A_94 = arith.muli %add3A_92, %mul3A_93 : i32
      %get3A_95 = arith.index_cast %mul3A_94 : i32 to index
      %get3A_96 = tpu.vector_load %arg5[%get3A_95] {strides = array<i32>} : memref<10000xi32, #tpu.memory_space<vmem>>, vector<16xi32>,
      %mul3A_97 = arith.constant 5120 : i32
      %mul3A_98 = vector.broadcast %mul3A_97 : i32 to vector<16xi32>
      %mul3A_99 = arith.muli %iota3A, %mul3A_98 : vector<16xi32>
      %add3A_100 = arith.addi %mul3A_99, %get3A_96 : vector<16xi32>
      tpu.vector_store_idx %arg6[%add3A_100], %broadcast_in_dim3A_1 {add = true} : memref<81920xf32, #tpu.memory_space<vmem>>[vector<16xi32>], vector<16xf32>,
    }
    %scan3A_14 = arith.constant 125 : i32
    %scan3A_15 = arith.constant 0 : i32
    %scan3A_16 = arith.constant 0 : i32
    %scan3A_17 = arith.constant 320 : i32
    %scan3A_18 = arith.addi %scan3A_16, %scan3A_17 : i32
    %scan3A_19 = arith.constant 1 : i32
    scf.for %scan3A_41 = %scan3A_16 to %scan3A_18 step %scan3A_19  : i32 {
      %mul3A_42 = arith.constant 16 : i32
      %mul3A_43 = arith.muli %scan3A_41, %mul3A_42 : i32
      %get3A = arith.index_cast %mul3A_43 : i32 to index
      %get3A_44 = tpu.vector_load %arg6[%get3A] {strides = array<i32>} : memref<81920xf32, #tpu.memory_space<vmem>>, vector<16xf32>,
      %mul3A_45 = arith.constant 16 : i32
      %mul3A_46 = arith.muli %scan3A_41, %mul3A_45 : i32
      %add3A_47 = arith.constant 5120 : i32
      %add3A_48 = arith.addi %add3A_47, %mul3A_46 : i32
      %get3A_49 = arith.index_cast %add3A_48 : i32 to index
      %get3A_50 = tpu.vector_load %arg6[%get3A_49] {strides = array<i32>} : memref<81920xf32, #tpu.memory_space<vmem>>, vector<16xf32>,
      %add3A_51 = arith.addf %get3A_44, %get3A_50 : vector<16xf32>
      %mul3A_52 = arith.constant 16 : i32
      %mul3A_53 = arith.muli %scan3A_41, %mul3A_52 : i32
      %add3A_54 = arith.constant 10240 : i32
      %add3A_55 = arith.addi %add3A_54, %mul3A_53 : i32
      %get3A_56 = arith.index_cast %add3A_55 : i32 to index
      %get3A_57 = tpu.vector_load %arg6[%get3A_56] {strides = array<i32>} : memref<81920xf32, #tpu.memory_space<vmem>>, vector<16xf32>,
      %add3A_58 = arith.addf %add3A_51, %get3A_57 : vector<16xf32>
      %mul3A_59 = arith.constant 16 : i32
      %mul3A_60 = arith.muli %scan3A_41, %mul3A_59 : i32
      %add3A_61 = arith.constant 15360 : i32
      %add3A_62 = arith.addi %add3A_61, %mul3A_60 : i32
      %get3A_63 = arith.index_cast %add3A_62 : i32 to index
      %get3A_64 = tpu.vector_load %arg6[%get3A_63] {strides = array<i32>} : memref<81920xf32, #tpu.memory_space<vmem>>, vector<16xf32>,
      %add3A_65 = arith.addf %add3A_58, %get3A_64 : vector<16xf32>
      %mul3A_66 = arith.constant 16 : i32
      %mul3A_67 = arith.muli %scan3A_41, %mul3A_66 : i32
      %add3A_68 = arith.constant 20480 : i32
      %add3A_69 = arith.addi %add3A_68, %mul3A_67 : i32
      %get3A_70 = arith.index_cast %add3A_69 : i32 to index
      %get3A_71 = tpu.vector_load %arg6[%get3A_70] {strides = array<i32>} : memref<81920xf32, #tpu.memory_space<vmem>>, vector<16xf32>,
      %add3A_72 = arith.addf %add3A_65, %get3A_71 : vector<16xf32>
      %mul3A_73 = arith.constant 16 : i32
      %mul3A_74 = arith.muli %scan3A_41, %mul3A_73 : i32
      %add3A_75 = arith.constant 25600 : i32
      %add3A_76 = arith.addi %add3A_75, %mul3A_74 : i32
      %get3A_77 = arith.index_cast %add3A_76 : i32 to index
      %get3A_78 = tpu.vector_load %arg6[%get3A_77] {strides = array<i32>} : memref<81920xf32, #tpu.memory_space<vmem>>, vector<16xf32>,
      %add3A_79 = arith.addf %add3A_72, %get3A_78 : vector<16xf32>
      %mul3A_80 = arith.constant 16 : i32
      %mul3A_81 = arith.muli %scan3A_41, %mul3A_80 : i32
      %add3A_82 = arith.constant 30720 : i32
      %add3A_83 = arith.addi %add3A_82, %mul3A_81 : i32
      %get3A_84 = arith.index_cast %add3A_83 : i32 to index
      %get3A_85 = tpu.vector_load %arg6[%get3A_84] {strides = array<i32>} : memref<81920xf32, #tpu.memory_space<vmem>>, vector<16xf32>,
      %add3A_86 = arith.addf %add3A_79, %get3A_85 : vector<16xf32>
      %mul3A_87 = arith.constant 16 : i32
      %mul3A_88 = arith.muli %scan3A_41, %mul3A_87 : i32
      %add3A_89 = arith.constant 35840 : i32
      %add3A_90 = arith.addi %add3A_89, %mul3A_88 : i32
      %get3A_91 = arith.index_cast %add3A_90 : i32 to index
      %get3A_92 = tpu.vector_load %arg6[%get3A_91] {strides = array<i32>} : memref<81920xf32, #tpu.memory_space<vmem>>, vector<16xf32>,
      %add3A_93 = arith.addf %add3A_86, %get3A_92 : vector<16xf32>
      %mul3A_94 = arith.constant 16 : i32
      %mul3A_95 = arith.muli %scan3A_41, %mul3A_94 : i32
      %add3A_96 = arith.constant 40960 : i32
      %add3A_97 = arith.addi %add3A_96, %mul3A_95 : i32
      %get3A_98 = arith.index_cast %add3A_97 : i32 to index
      %get3A_99 = tpu.vector_load %arg6[%get3A_98] {strides = array<i32>} : memref<81920xf32, #tpu.memory_space<vmem>>, vector<16xf32>,
      %add3A_100 = arith.addf %add3A_93, %get3A_99 : vector<16xf32>
      %mul3A_101 = arith.constant 16 : i32
      %mul3A_102 = arith.muli %scan3A_41, %mul3A_101 : i32
      %add3A_103 = arith.constant 46080 : i32
      %add3A_104 = arith.addi %add3A_103, %mul3A_102 : i32
      %get3A_105 = arith.index_cast %add3A_104 : i32 to index
      %get3A_106 = tpu.vector_load %arg6[%get3A_105] {strides = array<i32>} : memref<81920xf32, #tpu.memory_space<vmem>>, vector<16xf32>,
      %add3A_107 = arith.addf %add3A_100, %get3A_106 : vector<16xf32>
      %mul3A_108 = arith.constant 16 : i32
      %mul3A_109 = arith.muli %scan3A_41, %mul3A_108 : i32
      %add3A_110 = arith.constant 51200 : i32
      %add3A_111 = arith.addi %add3A_110, %mul3A_109 : i32
      %get3A_112 = arith.index_cast %add3A_111 : i32 to index
      %get3A_113 = tpu.vector_load %arg6[%get3A_112] {strides = array<i32>} : memref<81920xf32, #tpu.memory_space<vmem>>, vector<16xf32>,
      %add3A_114 = arith.addf %add3A_107, %get3A_113 : vector<16xf32>
      %mul3A_115 = arith.constant 16 : i32
      %mul3A_116 = arith.muli %scan3A_41, %mul3A_115 : i32
      %add3A_117 = arith.constant 56320 : i32
      %add3A_118 = arith.addi %add3A_117, %mul3A_116 : i32
      %get3A_119 = arith.index_cast %add3A_118 : i32 to index
      %get3A_120 = tpu.vector_load %arg6[%get3A_119] {strides = array<i32>} : memref<81920xf32, #tpu.memory_space<vmem>>, vector<16xf32>,
      %add3A_121 = arith.addf %add3A_114, %get3A_120 : vector<16xf32>
      %mul3A_122 = arith.constant 16 : i32
      %mul3A_123 = arith.muli %scan3A_41, %mul3A_122 : i32
      %add3A_124 = arith.constant 61440 : i32
      %add3A_125 = arith.addi %add3A_124, %mul3A_123 : i32
      %get3A_126 = arith.index_cast %add3A_125 : i32 to index
      %get3A_127 = tpu.vector_load %arg6[%get3A_126] {strides = array<i32>} : memref<81920xf32, #tpu.memory_space<vmem>>, vector<16xf32>,
      %add3A_128 = arith.addf %add3A_121, %get3A_127 : vector<16xf32>
      %mul3A_129 = arith.constant 16 : i32
      %mul3A_130 = arith.muli %scan3A_41, %mul3A_129 : i32
      %add3A_131 = arith.constant 66560 : i32
      %add3A_132 = arith.addi %add3A_131, %mul3A_130 : i32
      %get3A_133 = arith.index_cast %add3A_132 : i32 to index
      %get3A_134 = tpu.vector_load %arg6[%get3A_133] {strides = array<i32>} : memref<81920xf32, #tpu.memory_space<vmem>>, vector<16xf32>,
      %add3A_135 = arith.addf %add3A_128, %get3A_134 : vector<16xf32>
      %mul3A_136 = arith.constant 16 : i32
      %mul3A_137 = arith.muli %scan3A_41, %mul3A_136 : i32
      %add3A_138 = arith.constant 71680 : i32
      %add3A_139 = arith.addi %add3A_138, %mul3A_137 : i32
      %get3A_140 = arith.index_cast %add3A_139 : i32 to index
      %get3A_141 = tpu.vector_load %arg6[%get3A_140] {strides = array<i32>} : memref<81920xf32, #tpu.memory_space<vmem>>, vector<16xf32>,
      %add3A_142 = arith.addf %add3A_135, %get3A_141 : vector<16xf32>
      %mul3A_143 = arith.constant 16 : i32
      %mul3A_144 = arith.muli %scan3A_41, %mul3A_143 : i32
      %add3A_145 = arith.constant 76800 : i32
      %add3A_146 = arith.addi %add3A_145, %mul3A_144 : i32
      %get3A_147 = arith.index_cast %add3A_146 : i32 to index
      %get3A_148 = tpu.vector_load %arg6[%get3A_147] {strides = array<i32>} : memref<81920xf32, #tpu.memory_space<vmem>>, vector<16xf32>,
      %add3A_149 = arith.addf %add3A_142, %get3A_148 : vector<16xf32>
      %mul3A_150 = arith.constant 16 : i32
      %mul3A_151 = arith.muli %scan3A_41, %mul3A_150 : i32
      %add3A_152 = arith.constant 0 : i32
      %add3A_153 = arith.addi %add3A_152, %mul3A_151 : i32
      %swap3A = arith.index_cast %add3A_153 : i32 to index
      %swap3A_154 = tpu.vector_load %arg7[%swap3A] {strides = array<i32>} : memref<10240xf32, #tpu.memory_space<vmem>>, vector<16xf32>,
      tpu.vector_store %arg7[%swap3A], %add3A_149 {strides = array<i32>} : memref<10240xf32, #tpu.memory_space<vmem>>, vector<16xf32>,
    }
    %scan3A_20 = arith.constant 320 : i32
    "tpu.region"() ({
      %run_scoped3A = tpu.sem_alloc : memref<!tpu.dma_semaphore, #tpu.memory_space<semaphore_mem>>
      %dma_start3A = arith.constant 0 : i32
      %dma_start3A_41 = tpu.memref_slice %arg3[%add3A, %dma_start3A] : memref<32x10000xi32, #tpu.memory_space<hbm>> -> memref<1x10000xi32, #tpu.memory_space<hbm>>
      %dma_start3A_42 = tpu.memref_squeeze %dma_start3A_41 : memref<1x10000xi32, #tpu.memory_space<hbm>> -> memref<10000xi32, #tpu.memory_space<hbm>>
      %dma_start3A_43 = arith.constant 0 : i32
      %dma_start3A_44 = tpu.memref_slice %arg3[%add3A, %dma_start3A_43] : memref<32x10000xi32, #tpu.memory_space<hbm>> -> memref<1x10000xi32, #tpu.memory_space<hbm>>
      %dma_start3A_45 = tpu.memref_squeeze %dma_start3A_44 : memref<1x10000xi32, #tpu.memory_space<hbm>> -> memref<10000xi32, #tpu.memory_space<hbm>>
      tpu.enqueue_dma source(%dma_start3A_45 : memref<10000xi32, #tpu.memory_space<hbm>>) target(%arg5 : memref<10000xi32, #tpu.memory_space<vmem>>) target_semaphore(%run_scoped3A : memref<!tpu.dma_semaphore, #tpu.memory_space<semaphore_mem>>)
      %dma_wait3A = arith.constant 0 : i32
      %dma_wait3A_46 = tpu.memref_slice %arg3[%add3A, %dma_wait3A] : memref<32x10000xi32, #tpu.memory_space<hbm>> -> memref<1x10000xi32, #tpu.memory_space<hbm>>
      %dma_wait3A_47 = tpu.memref_squeeze %dma_wait3A_46 : memref<1x10000xi32, #tpu.memory_space<hbm>> -> memref<10000xi32, #tpu.memory_space<hbm>>
      %dma_wait3A_48 = arith.constant 0 : i32
      %dma_wait3A_49 = tpu.memref_slice %arg3[%add3A, %dma_wait3A_48] : memref<32x10000xi32, #tpu.memory_space<hbm>> -> memref<1x10000xi32, #tpu.memory_space<hbm>>
      %dma_wait3A_50 = tpu.memref_squeeze %dma_wait3A_49 : memref<1x10000xi32, #tpu.memory_space<hbm>> -> memref<10000xi32, #tpu.memory_space<hbm>>
      tpu.wait_dma2 semaphore(%run_scoped3A : memref<!tpu.dma_semaphore, #tpu.memory_space<semaphore_mem>>) src(%dma_wait3A_50 : memref<10000xi32, #tpu.memory_space<hbm>>) dst(%arg5 : memref<10000xi32, #tpu.memory_space<vmem>>)
      tpu.yield
    }) : () -> ()
    %scan3A_21 = arith.constant 0 : i32
    %scan3A_22 = arith.constant 0 : i32
    %scan3A_23 = arith.constant 640 : i32
    %scan3A_24 = arith.addi %scan3A_22, %scan3A_23 : i32
    %scan3A_25 = arith.constant 1 : i32
    scf.for %scan3A_41 = %scan3A_22 to %scan3A_24 step %scan3A_25  : i32 {
      %mul3A_42 = arith.constant 8 : i32
      %mul3A_43 = arith.muli %scan3A_41, %mul3A_42 : i32
      %add3A_44 = arith.constant 0 : i32
      %add3A_45 = arith.addi %mul3A_43, %add3A_44 : i32
      %mul3A_46 = arith.constant 16 : i32
      %mul3A_47 = arith.muli %add3A_45, %mul3A_46 : i32
      %swap3A = arith.index_cast %mul3A_47 : i32 to index
      %swap3A_48 = tpu.vector_load %arg6[%swap3A] {strides = array<i32>} : memref<81920xf32, #tpu.memory_space<vmem>>, vector<16xf32>,
      tpu.vector_store %arg6[%swap3A], %broadcast_in_dim3A_3 {strides = array<i32>} : memref<81920xf32, #tpu.memory_space<vmem>>, vector<16xf32>,
      %mul3A_49 = arith.constant 8 : i32
      %mul3A_50 = arith.muli %scan3A_41, %mul3A_49 : i32
      %add3A_51 = arith.constant 1 : i32
      %add3A_52 = arith.addi %mul3A_50, %add3A_51 : i32
      %mul3A_53 = arith.constant 16 : i32
      %mul3A_54 = arith.muli %add3A_52, %mul3A_53 : i32
      %swap3A_55 = arith.index_cast %mul3A_54 : i32 to index
      %swap3A_56 = tpu.vector_load %arg6[%swap3A_55] {strides = array<i32>} : memref<81920xf32, #tpu.memory_space<vmem>>, vector<16xf32>,
      tpu.vector_store %arg6[%swap3A_55], %broadcast_in_dim3A_3 {strides = array<i32>} : memref<81920xf32, #tpu.memory_space<vmem>>, vector<16xf32>,
      %mul3A_57 = arith.constant 8 : i32
      %mul3A_58 = arith.muli %scan3A_41, %mul3A_57 : i32
      %add3A_59 = arith.constant 2 : i32
      %add3A_60 = arith.addi %mul3A_58, %add3A_59 : i32
      %mul3A_61 = arith.constant 16 : i32
      %mul3A_62 = arith.muli %add3A_60, %mul3A_61 : i32
      %swap3A_63 = arith.index_cast %mul3A_62 : i32 to index
      %swap3A_64 = tpu.vector_load %arg6[%swap3A_63] {strides = array<i32>} : memref<81920xf32, #tpu.memory_space<vmem>>, vector<16xf32>,
      tpu.vector_store %arg6[%swap3A_63], %broadcast_in_dim3A_3 {strides = array<i32>} : memref<81920xf32, #tpu.memory_space<vmem>>, vector<16xf32>,
      %mul3A_65 = arith.constant 8 : i32
      %mul3A_66 = arith.muli %scan3A_41, %mul3A_65 : i32
      %add3A_67 = arith.constant 3 : i32
      %add3A_68 = arith.addi %mul3A_66, %add3A_67 : i32
      %mul3A_69 = arith.constant 16 : i32
      %mul3A_70 = arith.muli %add3A_68, %mul3A_69 : i32
      %swap3A_71 = arith.index_cast %mul3A_70 : i32 to index
      %swap3A_72 = tpu.vector_load %arg6[%swap3A_71] {strides = array<i32>} : memref<81920xf32, #tpu.memory_space<vmem>>, vector<16xf32>,
      tpu.vector_store %arg6[%swap3A_71], %broadcast_in_dim3A_3 {strides = array<i32>} : memref<81920xf32, #tpu.memory_space<vmem>>, vector<16xf32>,
      %mul3A_73 = arith.constant 8 : i32
      %mul3A_74 = arith.muli %scan3A_41, %mul3A_73 : i32
      %add3A_75 = arith.constant 4 : i32
      %add3A_76 = arith.addi %mul3A_74, %add3A_75 : i32
      %mul3A_77 = arith.constant 16 : i32
      %mul3A_78 = arith.muli %add3A_76, %mul3A_77 : i32
      %swap3A_79 = arith.index_cast %mul3A_78 : i32 to index
      %swap3A_80 = tpu.vector_load %arg6[%swap3A_79] {strides = array<i32>} : memref<81920xf32, #tpu.memory_space<vmem>>, vector<16xf32>,
      tpu.vector_store %arg6[%swap3A_79], %broadcast_in_dim3A_3 {strides = array<i32>} : memref<81920xf32, #tpu.memory_space<vmem>>, vector<16xf32>,
      %mul3A_81 = arith.constant 8 : i32
      %mul3A_82 = arith.muli %scan3A_41, %mul3A_81 : i32
      %add3A_83 = arith.constant 5 : i32
      %add3A_84 = arith.addi %mul3A_82, %add3A_83 : i32
      %mul3A_85 = arith.constant 16 : i32
      %mul3A_86 = arith.muli %add3A_84, %mul3A_85 : i32
      %swap3A_87 = arith.index_cast %mul3A_86 : i32 to index
      %swap3A_88 = tpu.vector_load %arg6[%swap3A_87] {strides = array<i32>} : memref<81920xf32, #tpu.memory_space<vmem>>, vector<16xf32>,
      tpu.vector_store %arg6[%swap3A_87], %broadcast_in_dim3A_3 {strides = array<i32>} : memref<81920xf32, #tpu.memory_space<vmem>>, vector<16xf32>,
      %mul3A_89 = arith.constant 8 : i32
      %mul3A_90 = arith.muli %scan3A_41, %mul3A_89 : i32
      %add3A_91 = arith.constant 6 : i32
      %add3A_92 = arith.addi %mul3A_90, %add3A_91 : i32
      %mul3A_93 = arith.constant 16 : i32
      %mul3A_94 = arith.muli %add3A_92, %mul3A_93 : i32
      %swap3A_95 = arith.index_cast %mul3A_94 : i32 to index
      %swap3A_96 = tpu.vector_load %arg6[%swap3A_95] {strides = array<i32>} : memref<81920xf32, #tpu.memory_space<vmem>>, vector<16xf32>,
      tpu.vector_store %arg6[%swap3A_95], %broadcast_in_dim3A_3 {strides = array<i32>} : memref<81920xf32, #tpu.memory_space<vmem>>, vector<16xf32>,
      %mul3A_97 = arith.constant 8 : i32
      %mul3A_98 = arith.muli %scan3A_41, %mul3A_97 : i32
      %add3A_99 = arith.constant 7 : i32
      %add3A_100 = arith.addi %mul3A_98, %add3A_99 : i32
      %mul3A_101 = arith.constant 16 : i32
      %mul3A_102 = arith.muli %add3A_100, %mul3A_101 : i32
      %swap3A_103 = arith.index_cast %mul3A_102 : i32 to index
      %swap3A_104 = tpu.vector_load %arg6[%swap3A_103] {strides = array<i32>} : memref<81920xf32, #tpu.memory_space<vmem>>, vector<16xf32>,
      tpu.vector_store %arg6[%swap3A_103], %broadcast_in_dim3A_3 {strides = array<i32>} : memref<81920xf32, #tpu.memory_space<vmem>>, vector<16xf32>,
    }
    %scan3A_26 = arith.constant 640 : i32
    %scan3A_27 = arith.constant 0 : i32
    %scan3A_28 = arith.constant 0 : i32
    %scan3A_29 = arith.constant 125 : i32
    %scan3A_30 = arith.addi %scan3A_28, %scan3A_29 : i32
    %scan3A_31 = arith.constant 1 : i32
    scf.for %scan3A_41 = %scan3A_28 to %scan3A_30 step %scan3A_31  : i32 {
      %mul3A_42 = arith.constant 5 : i32
      %mul3A_43 = arith.muli %scan3A_41, %mul3A_42 : i32
      %add3A_44 = arith.constant 0 : i32
      %add3A_45 = arith.addi %mul3A_43, %add3A_44 : i32
      %mul3A_46 = arith.constant 16 : i32
      %mul3A_47 = arith.muli %add3A_45, %mul3A_46 : i32
      %get3A = arith.index_cast %mul3A_47 : i32 to index
      %get3A_48 = tpu.vector_load %arg5[%get3A] {strides = array<i32>} : memref<10000xi32, #tpu.memory_space<vmem>>, vector<16xi32>,
      %mul3A_49 = arith.constant 5120 : i32
      %mul3A_50 = vector.broadcast %mul3A_49 : i32 to vector<16xi32>
      %mul3A_51 = arith.muli %iota3A, %mul3A_50 : vector<16xi32>
      %add3A_52 = arith.addi %mul3A_51, %get3A_48 : vector<16xi32>
      tpu.vector_store_idx %arg6[%add3A_52], %broadcast_in_dim3A_1 {add = true} : memref<81920xf32, #tpu.memory_space<vmem>>[vector<16xi32>], vector<16xf32>,
      %mul3A_53 = arith.constant 5 : i32
      %mul3A_54 = arith.muli %scan3A_41, %mul3A_53 : i32
      %add3A_55 = arith.constant 1 : i32
      %add3A_56 = arith.addi %mul3A_54, %add3A_55 : i32
      %mul3A_57 = arith.constant 16 : i32
      %mul3A_58 = arith.muli %add3A_56, %mul3A_57 : i32
      %get3A_59 = arith.index_cast %mul3A_58 : i32 to index
      %get3A_60 = tpu.vector_load %arg5[%get3A_59] {strides = array<i32>} : memref<10000xi32, #tpu.memory_space<vmem>>, vector<16xi32>,
      %mul3A_61 = arith.constant 5120 : i32
      %mul3A_62 = vector.broadcast %mul3A_61 : i32 to vector<16xi32>
      %mul3A_63 = arith.muli %iota3A, %mul3A_62 : vector<16xi32>
      %add3A_64 = arith.addi %mul3A_63, %get3A_60 : vector<16xi32>
      tpu.vector_store_idx %arg6[%add3A_64], %broadcast_in_dim3A_1 {add = true} : memref<81920xf32, #tpu.memory_space<vmem>>[vector<16xi32>], vector<16xf32>,
      %mul3A_65 = arith.constant 5 : i32
      %mul3A_66 = arith.muli %scan3A_41, %mul3A_65 : i32
      %add3A_67 = arith.constant 2 : i32
      %add3A_68 = arith.addi %mul3A_66, %add3A_67 : i32
      %mul3A_69 = arith.constant 16 : i32
      %mul3A_70 = arith.muli %add3A_68, %mul3A_69 : i32
      %get3A_71 = arith.index_cast %mul3A_70 : i32 to index
      %get3A_72 = tpu.vector_load %arg5[%get3A_71] {strides = array<i32>} : memref<10000xi32, #tpu.memory_space<vmem>>, vector<16xi32>,
      %mul3A_73 = arith.constant 5120 : i32
      %mul3A_74 = vector.broadcast %mul3A_73 : i32 to vector<16xi32>
      %mul3A_75 = arith.muli %iota3A, %mul3A_74 : vector<16xi32>
      %add3A_76 = arith.addi %mul3A_75, %get3A_72 : vector<16xi32>
      tpu.vector_store_idx %arg6[%add3A_76], %broadcast_in_dim3A_1 {add = true} : memref<81920xf32, #tpu.memory_space<vmem>>[vector<16xi32>], vector<16xf32>,
      %mul3A_77 = arith.constant 5 : i32
      %mul3A_78 = arith.muli %scan3A_41, %mul3A_77 : i32
      %add3A_79 = arith.constant 3 : i32
      %add3A_80 = arith.addi %mul3A_78, %add3A_79 : i32
      %mul3A_81 = arith.constant 16 : i32
      %mul3A_82 = arith.muli %add3A_80, %mul3A_81 : i32
      %get3A_83 = arith.index_cast %mul3A_82 : i32 to index
      %get3A_84 = tpu.vector_load %arg5[%get3A_83] {strides = array<i32>} : memref<10000xi32, #tpu.memory_space<vmem>>, vector<16xi32>,
      %mul3A_85 = arith.constant 5120 : i32
      %mul3A_86 = vector.broadcast %mul3A_85 : i32 to vector<16xi32>
      %mul3A_87 = arith.muli %iota3A, %mul3A_86 : vector<16xi32>
      %add3A_88 = arith.addi %mul3A_87, %get3A_84 : vector<16xi32>
      tpu.vector_store_idx %arg6[%add3A_88], %broadcast_in_dim3A_1 {add = true} : memref<81920xf32, #tpu.memory_space<vmem>>[vector<16xi32>], vector<16xf32>,
      %mul3A_89 = arith.constant 5 : i32
      %mul3A_90 = arith.muli %scan3A_41, %mul3A_89 : i32
      %add3A_91 = arith.constant 4 : i32
      %add3A_92 = arith.addi %mul3A_90, %add3A_91 : i32
      %mul3A_93 = arith.constant 16 : i32
      %mul3A_94 = arith.muli %add3A_92, %mul3A_93 : i32
      %get3A_95 = arith.index_cast %mul3A_94 : i32 to index
      %get3A_96 = tpu.vector_load %arg5[%get3A_95] {strides = array<i32>} : memref<10000xi32, #tpu.memory_space<vmem>>, vector<16xi32>,
      %mul3A_97 = arith.constant 5120 : i32
      %mul3A_98 = vector.broadcast %mul3A_97 : i32 to vector<16xi32>
      %mul3A_99 = arith.muli %iota3A, %mul3A_98 : vector<16xi32>
      %add3A_100 = arith.addi %mul3A_99, %get3A_96 : vector<16xi32>
      tpu.vector_store_idx %arg6[%add3A_100], %broadcast_in_dim3A_1 {add = true} : memref<81920xf32, #tpu.memory_space<vmem>>[vector<16xi32>], vector<16xf32>,
    }
    %scan3A_32 = arith.constant 125 : i32
    %scan3A_33 = arith.constant 0 : i32
    %scan3A_34 = arith.constant 0 : i32
    %scan3A_35 = arith.constant 320 : i32
    %scan3A_36 = arith.addi %scan3A_34, %scan3A_35 : i32
    %scan3A_37 = arith.constant 1 : i32
    scf.for %scan3A_41 = %scan3A_34 to %scan3A_36 step %scan3A_37  : i32 {
      %mul3A_42 = arith.constant 16 : i32
      %mul3A_43 = arith.muli %scan3A_41, %mul3A_42 : i32
      %get3A = arith.index_cast %mul3A_43 : i32 to index
      %get3A_44 = tpu.vector_load %arg6[%get3A] {strides = array<i32>} : memref<81920xf32, #tpu.memory_space<vmem>>, vector<16xf32>,
      %mul3A_45 = arith.constant 16 : i32
      %mul3A_46 = arith.muli %scan3A_41, %mul3A_45 : i32
      %add3A_47 = arith.constant 5120 : i32
      %add3A_48 = arith.addi %add3A_47, %mul3A_46 : i32
      %get3A_49 = arith.index_cast %add3A_48 : i32 to index
      %get3A_50 = tpu.vector_load %arg6[%get3A_49] {strides = array<i32>} : memref<81920xf32, #tpu.memory_space<vmem>>, vector<16xf32>,
      %add3A_51 = arith.addf %get3A_44, %get3A_50 : vector<16xf32>
      %mul3A_52 = arith.constant 16 : i32
      %mul3A_53 = arith.muli %scan3A_41, %mul3A_52 : i32
      %add3A_54 = arith.constant 10240 : i32
      %add3A_55 = arith.addi %add3A_54, %mul3A_53 : i32
      %get3A_56 = arith.index_cast %add3A_55 : i32 to index
      %get3A_57 = tpu.vector_load %arg6[%get3A_56] {strides = array<i32>} : memref<81920xf32, #tpu.memory_space<vmem>>, vector<16xf32>,
      %add3A_58 = arith.addf %add3A_51, %get3A_57 : vector<16xf32>
      %mul3A_59 = arith.constant 16 : i32
      %mul3A_60 = arith.muli %scan3A_41, %mul3A_59 : i32
      %add3A_61 = arith.constant 15360 : i32
      %add3A_62 = arith.addi %add3A_61, %mul3A_60 : i32
      %get3A_63 = arith.index_cast %add3A_62 : i32 to index
      %get3A_64 = tpu.vector_load %arg6[%get3A_63] {strides = array<i32>} : memref<81920xf32, #tpu.memory_space<vmem>>, vector<16xf32>,
      %add3A_65 = arith.addf %add3A_58, %get3A_64 : vector<16xf32>
      %mul3A_66 = arith.constant 16 : i32
      %mul3A_67 = arith.muli %scan3A_41, %mul3A_66 : i32
      %add3A_68 = arith.constant 20480 : i32
      %add3A_69 = arith.addi %add3A_68, %mul3A_67 : i32
      %get3A_70 = arith.index_cast %add3A_69 : i32 to index
      %get3A_71 = tpu.vector_load %arg6[%get3A_70] {strides = array<i32>} : memref<81920xf32, #tpu.memory_space<vmem>>, vector<16xf32>,
      %add3A_72 = arith.addf %add3A_65, %get3A_71 : vector<16xf32>
      %mul3A_73 = arith.constant 16 : i32
      %mul3A_74 = arith.muli %scan3A_41, %mul3A_73 : i32
      %add3A_75 = arith.constant 25600 : i32
      %add3A_76 = arith.addi %add3A_75, %mul3A_74 : i32
      %get3A_77 = arith.index_cast %add3A_76 : i32 to index
      %get3A_78 = tpu.vector_load %arg6[%get3A_77] {strides = array<i32>} : memref<81920xf32, #tpu.memory_space<vmem>>, vector<16xf32>,
      %add3A_79 = arith.addf %add3A_72, %get3A_78 : vector<16xf32>
      %mul3A_80 = arith.constant 16 : i32
      %mul3A_81 = arith.muli %scan3A_41, %mul3A_80 : i32
      %add3A_82 = arith.constant 30720 : i32
      %add3A_83 = arith.addi %add3A_82, %mul3A_81 : i32
      %get3A_84 = arith.index_cast %add3A_83 : i32 to index
      %get3A_85 = tpu.vector_load %arg6[%get3A_84] {strides = array<i32>} : memref<81920xf32, #tpu.memory_space<vmem>>, vector<16xf32>,
      %add3A_86 = arith.addf %add3A_79, %get3A_85 : vector<16xf32>
      %mul3A_87 = arith.constant 16 : i32
      %mul3A_88 = arith.muli %scan3A_41, %mul3A_87 : i32
      %add3A_89 = arith.constant 35840 : i32
      %add3A_90 = arith.addi %add3A_89, %mul3A_88 : i32
      %get3A_91 = arith.index_cast %add3A_90 : i32 to index
      %get3A_92 = tpu.vector_load %arg6[%get3A_91] {strides = array<i32>} : memref<81920xf32, #tpu.memory_space<vmem>>, vector<16xf32>,
      %add3A_93 = arith.addf %add3A_86, %get3A_92 : vector<16xf32>
      %mul3A_94 = arith.constant 16 : i32
      %mul3A_95 = arith.muli %scan3A_41, %mul3A_94 : i32
      %add3A_96 = arith.constant 40960 : i32
      %add3A_97 = arith.addi %add3A_96, %mul3A_95 : i32
      %get3A_98 = arith.index_cast %add3A_97 : i32 to index
      %get3A_99 = tpu.vector_load %arg6[%get3A_98] {strides = array<i32>} : memref<81920xf32, #tpu.memory_space<vmem>>, vector<16xf32>,
      %add3A_100 = arith.addf %add3A_93, %get3A_99 : vector<16xf32>
      %mul3A_101 = arith.constant 16 : i32
      %mul3A_102 = arith.muli %scan3A_41, %mul3A_101 : i32
      %add3A_103 = arith.constant 46080 : i32
      %add3A_104 = arith.addi %add3A_103, %mul3A_102 : i32
      %get3A_105 = arith.index_cast %add3A_104 : i32 to index
      %get3A_106 = tpu.vector_load %arg6[%get3A_105] {strides = array<i32>} : memref<81920xf32, #tpu.memory_space<vmem>>, vector<16xf32>,
      %add3A_107 = arith.addf %add3A_100, %get3A_106 : vector<16xf32>
      %mul3A_108 = arith.constant 16 : i32
      %mul3A_109 = arith.muli %scan3A_41, %mul3A_108 : i32
      %add3A_110 = arith.constant 51200 : i32
      %add3A_111 = arith.addi %add3A_110, %mul3A_109 : i32
      %get3A_112 = arith.index_cast %add3A_111 : i32 to index
      %get3A_113 = tpu.vector_load %arg6[%get3A_112] {strides = array<i32>} : memref<81920xf32, #tpu.memory_space<vmem>>, vector<16xf32>,
      %add3A_114 = arith.addf %add3A_107, %get3A_113 : vector<16xf32>
      %mul3A_115 = arith.constant 16 : i32
      %mul3A_116 = arith.muli %scan3A_41, %mul3A_115 : i32
      %add3A_117 = arith.constant 56320 : i32
      %add3A_118 = arith.addi %add3A_117, %mul3A_116 : i32
      %get3A_119 = arith.index_cast %add3A_118 : i32 to index
      %get3A_120 = tpu.vector_load %arg6[%get3A_119] {strides = array<i32>} : memref<81920xf32, #tpu.memory_space<vmem>>, vector<16xf32>,
      %add3A_121 = arith.addf %add3A_114, %get3A_120 : vector<16xf32>
      %mul3A_122 = arith.constant 16 : i32
      %mul3A_123 = arith.muli %scan3A_41, %mul3A_122 : i32
      %add3A_124 = arith.constant 61440 : i32
      %add3A_125 = arith.addi %add3A_124, %mul3A_123 : i32
      %get3A_126 = arith.index_cast %add3A_125 : i32 to index
      %get3A_127 = tpu.vector_load %arg6[%get3A_126] {strides = array<i32>} : memref<81920xf32, #tpu.memory_space<vmem>>, vector<16xf32>,
      %add3A_128 = arith.addf %add3A_121, %get3A_127 : vector<16xf32>
      %mul3A_129 = arith.constant 16 : i32
      %mul3A_130 = arith.muli %scan3A_41, %mul3A_129 : i32
      %add3A_131 = arith.constant 66560 : i32
      %add3A_132 = arith.addi %add3A_131, %mul3A_130 : i32
      %get3A_133 = arith.index_cast %add3A_132 : i32 to index
      %get3A_134 = tpu.vector_load %arg6[%get3A_133] {strides = array<i32>} : memref<81920xf32, #tpu.memory_space<vmem>>, vector<16xf32>,
      %add3A_135 = arith.addf %add3A_128, %get3A_134 : vector<16xf32>
      %mul3A_136 = arith.constant 16 : i32
      %mul3A_137 = arith.muli %scan3A_41, %mul3A_136 : i32
      %add3A_138 = arith.constant 71680 : i32
      %add3A_139 = arith.addi %add3A_138, %mul3A_137 : i32
      %get3A_140 = arith.index_cast %add3A_139 : i32 to index
      %get3A_141 = tpu.vector_load %arg6[%get3A_140] {strides = array<i32>} : memref<81920xf32, #tpu.memory_space<vmem>>, vector<16xf32>,
      %add3A_142 = arith.addf %add3A_135, %get3A_141 : vector<16xf32>
      %mul3A_143 = arith.constant 16 : i32
      %mul3A_144 = arith.muli %scan3A_41, %mul3A_143 : i32
      %add3A_145 = arith.constant 76800 : i32
      %add3A_146 = arith.addi %add3A_145, %mul3A_144 : i32
      %get3A_147 = arith.index_cast %add3A_146 : i32 to index
      %get3A_148 = tpu.vector_load %arg6[%get3A_147] {strides = array<i32>} : memref<81920xf32, #tpu.memory_space<vmem>>, vector<16xf32>,
      %add3A_149 = arith.addf %add3A_142, %get3A_148 : vector<16xf32>
      %mul3A_150 = arith.constant 16 : i32
      %mul3A_151 = arith.muli %scan3A_41, %mul3A_150 : i32
      %add3A_152 = arith.constant 5120 : i32
      %add3A_153 = arith.addi %add3A_152, %mul3A_151 : i32
      %swap3A = arith.index_cast %add3A_153 : i32 to index
      %swap3A_154 = tpu.vector_load %arg7[%swap3A] {strides = array<i32>} : memref<10240xf32, #tpu.memory_space<vmem>>, vector<16xf32>,
      tpu.vector_store %arg7[%swap3A], %add3A_149 {strides = array<i32>} : memref<10240xf32, #tpu.memory_space<vmem>>, vector<16xf32>,
    }
    %scan3A_38 = arith.constant 320 : i32
    "tpu.region"() ({
      %run_scoped3A = tpu.sem_alloc : memref<!tpu.dma_semaphore, #tpu.memory_space<semaphore_mem>>
      %dma_start3A = arith.constant 0 : i32
      %dma_start3A_41 = tpu.memref_slice %arg7[%dma_start3A] : memref<10240xf32, #tpu.memory_space<vmem>> -> memref<5120xf32, #tpu.memory_space<vmem>>
      %dma_start3A_42 = arith.constant 0 : i32
      %dma_start3A_43 = tpu.memref_slice %arg4[%add3A, %dma_start3A_42] : memref<64x5120xf32, #tpu.memory_space<hbm>> -> memref<1x5120xf32, #tpu.memory_space<hbm>>
      %dma_start3A_44 = tpu.memref_squeeze %dma_start3A_43 : memref<1x5120xf32, #tpu.memory_space<hbm>> -> memref<5120xf32, #tpu.memory_space<hbm>>
      %dma_start3A_45 = arith.constant 0 : i32
      %dma_start3A_46 = tpu.memref_slice %arg4[%add3A, %dma_start3A_45] : memref<64x5120xf32, #tpu.memory_space<hbm>> -> memref<1x5120xf32, #tpu.memory_space<hbm>>
      %dma_start3A_47 = tpu.memref_squeeze %dma_start3A_46 : memref<1x5120xf32, #tpu.memory_space<hbm>> -> memref<5120xf32, #tpu.memory_space<hbm>>
      %dma_start3A_48 = arith.constant 0 : i32
      %dma_start3A_49 = tpu.memref_slice %arg7[%dma_start3A_48] : memref<10240xf32, #tpu.memory_space<vmem>> -> memref<5120xf32, #tpu.memory_space<vmem>>
      tpu.enqueue_dma source(%dma_start3A_49 : memref<5120xf32, #tpu.memory_space<vmem>>) target(%dma_start3A_47 : memref<5120xf32, #tpu.memory_space<hbm>>) target_semaphore(%run_scoped3A : memref<!tpu.dma_semaphore, #tpu.memory_space<semaphore_mem>>)
      %dma_wait3A = arith.constant 0 : i32
      %dma_wait3A_50 = tpu.memref_slice %arg7[%dma_wait3A] : memref<10240xf32, #tpu.memory_space<vmem>> -> memref<5120xf32, #tpu.memory_space<vmem>>
      %dma_wait3A_51 = arith.constant 0 : i32
      %dma_wait3A_52 = tpu.memref_slice %arg4[%add3A, %dma_wait3A_51] : memref<64x5120xf32, #tpu.memory_space<hbm>> -> memref<1x5120xf32, #tpu.memory_space<hbm>>
      %dma_wait3A_53 = tpu.memref_squeeze %dma_wait3A_52 : memref<1x5120xf32, #tpu.memory_space<hbm>> -> memref<5120xf32, #tpu.memory_space<hbm>>
      %dma_wait3A_54 = arith.constant 0 : i32
      %dma_wait3A_55 = tpu.memref_slice %arg4[%add3A, %dma_wait3A_54] : memref<64x5120xf32, #tpu.memory_space<hbm>> -> memref<1x5120xf32, #tpu.memory_space<hbm>>
      %dma_wait3A_56 = tpu.memref_squeeze %dma_wait3A_55 : memref<1x5120xf32, #tpu.memory_space<hbm>> -> memref<5120xf32, #tpu.memory_space<hbm>>
      %dma_wait3A_57 = arith.constant 0 : i32
      %dma_wait3A_58 = tpu.memref_slice %arg7[%dma_wait3A_57] : memref<10240xf32, #tpu.memory_space<vmem>> -> memref<5120xf32, #tpu.memory_space<vmem>>
      tpu.wait_dma2 semaphore(%run_scoped3A : memref<!tpu.dma_semaphore, #tpu.memory_space<semaphore_mem>>) src(%dma_wait3A_58 : memref<5120xf32, #tpu.memory_space<vmem>>) dst(%dma_wait3A_56 : memref<5120xf32, #tpu.memory_space<hbm>>)
      tpu.yield
    }) : () -> ()
    %add3A_39 = arith.constant 32 : i32
    %add3A_40 = arith.addi %add3A_39, %add3A : i32
    "tpu.region"() ({
      %run_scoped3A = tpu.sem_alloc : memref<!tpu.dma_semaphore, #tpu.memory_space<semaphore_mem>>
      %dma_start3A = arith.constant 5120 : i32
      %dma_start3A_41 = tpu.memref_slice %arg7[%dma_start3A] : memref<10240xf32, #tpu.memory_space<vmem>> -> memref<5120xf32, #tpu.memory_space<vmem>>
      %dma_start3A_42 = arith.constant 0 : i32
      %dma_start3A_43 = tpu.memref_slice %arg4[%add3A_40, %dma_start3A_42] : memref<64x5120xf32, #tpu.memory_space<hbm>> -> memref<1x5120xf32, #tpu.memory_space<hbm>>
      %dma_start3A_44 = tpu.memref_squeeze %dma_start3A_43 : memref<1x5120xf32, #tpu.memory_space<hbm>> -> memref<5120xf32, #tpu.memory_space<hbm>>
      %dma_start3A_45 = arith.constant 0 : i32
      %dma_start3A_46 = tpu.memref_slice %arg4[%add3A_40, %dma_start3A_45] : memref<64x5120xf32, #tpu.memory_space<hbm>> -> memref<1x5120xf32, #tpu.memory_space<hbm>>
      %dma_start3A_47 = tpu.memref_squeeze %dma_start3A_46 : memref<1x5120xf32, #tpu.memory_space<hbm>> -> memref<5120xf32, #tpu.memory_space<hbm>>
      %dma_start3A_48 = arith.constant 5120 : i32
      %dma_start3A_49 = tpu.memref_slice %arg7[%dma_start3A_48] : memref<10240xf32, #tpu.memory_space<vmem>> -> memref<5120xf32, #tpu.memory_space<vmem>>
      tpu.enqueue_dma source(%dma_start3A_49 : memref<5120xf32, #tpu.memory_space<vmem>>) target(%dma_start3A_47 : memref<5120xf32, #tpu.memory_space<hbm>>) target_semaphore(%run_scoped3A : memref<!tpu.dma_semaphore, #tpu.memory_space<semaphore_mem>>)
      %dma_wait3A = arith.constant 5120 : i32
      %dma_wait3A_50 = tpu.memref_slice %arg7[%dma_wait3A] : memref<10240xf32, #tpu.memory_space<vmem>> -> memref<5120xf32, #tpu.memory_space<vmem>>
      %dma_wait3A_51 = arith.constant 0 : i32
      %dma_wait3A_52 = tpu.memref_slice %arg4[%add3A_40, %dma_wait3A_51] : memref<64x5120xf32, #tpu.memory_space<hbm>> -> memref<1x5120xf32, #tpu.memory_space<hbm>>
      %dma_wait3A_53 = tpu.memref_squeeze %dma_wait3A_52 : memref<1x5120xf32, #tpu.memory_space<hbm>> -> memref<5120xf32, #tpu.memory_space<hbm>>
      %dma_wait3A_54 = arith.constant 0 : i32
      %dma_wait3A_55 = tpu.memref_slice %arg4[%add3A_40, %dma_wait3A_54] : memref<64x5120xf32, #tpu.memory_space<hbm>> -> memref<1x5120xf32, #tpu.memory_space<hbm>>
      %dma_wait3A_56 = tpu.memref_squeeze %dma_wait3A_55 : memref<1x5120xf32, #tpu.memory_space<hbm>> -> memref<5120xf32, #tpu.memory_space<hbm>>
      %dma_wait3A_57 = arith.constant 5120 : i32
      %dma_wait3A_58 = tpu.memref_slice %arg7[%dma_wait3A_57] : memref<10240xf32, #tpu.memory_space<vmem>> -> memref<5120xf32, #tpu.memory_space<vmem>>
      tpu.wait_dma2 semaphore(%run_scoped3A : memref<!tpu.dma_semaphore, #tpu.memory_space<semaphore_mem>>) src(%dma_wait3A_58 : memref<5120xf32, #tpu.memory_space<vmem>>) dst(%dma_wait3A_56 : memref<5120xf32, #tpu.memory_space<hbm>>)
      tpu.yield
    }) : () -> ()
    return
  }
}

module attributes {stable_mosaic.version = 14 : i64} {
  func.func @_prep_body(%arg0: memref<64x5120xf32, #tpu.memory_space<vmem>>, %arg1: memref<5000x128xf32, #tpu.memory_space<vmem>>, %arg2: memref<5000x128xf32, #tpu.memory_space<vmem>>, %arg3: memref<5008x128xf32, #tpu.memory_space<vmem>>, %arg4: memref<5008x128xf32, #tpu.memory_space<vmem>>, %arg5: memref<5120x2xf32, #tpu.memory_space<vmem>>) attributes {dimension_semantics = [], scalar_prefetch = 0 : i64, scratch_operands = 0 : i64, tpu.core_type = #tpu.core_type<tc>} {
    %get3A = arith.constant 0 : index
    %get3A_0 = arith.constant 0 : index
    %get3A_1 = vector.load %arg0[%get3A, %get3A_0] : memref<64x5120xf32, #tpu.memory_space<vmem>>, vector<64x5120xf32>
    %iota3A = tpu.iota {dimensions = array<i32: 0>} : vector<64x2xi32>
    %iota3A_2 = tpu.iota {dimensions = array<i32: 1>} : vector<64x2xi32>
    %lt3A = arith.constant 32 : i32
    %lt3A_3 = vector.broadcast %lt3A : i32 to vector<64x2xi32>
    %lt3A_4 = arith.cmpi slt, %iota3A, %lt3A_3 : vector<64x2xi32>
    %eq3A = arith.constant 0 : i32
    %eq3A_5 = vector.broadcast %eq3A : i32 to vector<64x2xi32>
    %eq3A_6 = arith.cmpi eq, %iota3A_2, %eq3A_5 : vector<64x2xi32>
    %eq3A_7 = arith.xori %lt3A_4, %eq3A_6 : vector<64x2xi1>
    %eq3A_8 = arith.constant dense<true> : vector<64x2xi1>
    %eq3A_9 = arith.xori %eq3A_7, %eq3A_8 : vector<64x2xi1>
    %jit3A = arith.constant 1.000000e+00 : f32
    %jit3A_10 = arith.constant 0.000000e+00 : f32
    %broadcast_in_dim3A = vector.broadcast %jit3A : f32 to vector<64x2xf32>
    %broadcast_in_dim3A_11 = vector.broadcast %jit3A_10 : f32 to vector<64x2xf32>
    %select_n3A = arith.select %eq3A_9, %broadcast_in_dim3A, %broadcast_in_dim3A_11 : vector<64x2xi1>, vector<64x2xf32>
    %dot_general3A = arith.constant dense<0.000000e+00> : vector<5120x2xf32>
    %dot_general3A_12 = tpu.matmul %get3A_1, %select_n3A, %dot_general3A {dimension_numbers = #tpu.dot_dimension_numbers<[0], [0], [1], [1], [0, 1, 1, 1], [], []>, transpose_lhs_hint = false} : vector<64x5120xf32>, vector<64x2xf32>, vector<5120x2xf32> -> vector<5120x2xf32>
    %gt3A = arith.constant 0.000000e+00 : f32
    %gt3A_13 = vector.broadcast %gt3A : f32 to vector<5120x2xf32>
    %gt3A_14 = arith.cmpf ogt, %dot_general3A_12, %gt3A_13 : vector<5120x2xf32>
    %max3A = arith.constant 1.000000e+00 : f32
    %max3A_15 = vector.broadcast %max3A : f32 to vector<5120x2xf32>
    %max3A_16 = arith.maximumf %dot_general3A_12, %max3A_15 : vector<5120x2xf32>
    %rsqrt3A = math.rsqrt %max3A_16 : vector<5120x2xf32>
    %jit3A_17 = arith.constant 0.000000e+00 : f32
    %broadcast_in_dim3A_18 = vector.broadcast %jit3A_17 : f32 to vector<5120x2xf32>
    %select_n3A_19 = arith.select %gt3A_14, %rsqrt3A, %broadcast_in_dim3A_18 : vector<5120x2xi1>, vector<5120x2xf32>
    %swap3A = arith.constant 0 : index
    %swap3A_20 = arith.constant 0 : index
    %swap3A_21 = vector.load %arg5[%swap3A, %swap3A_20] : memref<5120x2xf32, #tpu.memory_space<vmem>>, vector<5120x2xf32>
    tpu.vector_store %arg5[%swap3A, %swap3A_20], %select_n3A_19 {strides = array<i32>} : memref<5120x2xf32, #tpu.memory_space<vmem>>, vector<5120x2xf32>,
    %get3A_22 = arith.constant 0 : index
    %get3A_23 = arith.constant 0 : index
    %get3A_24 = vector.load %arg1[%get3A_22, %get3A_23] : memref<5000x128xf32, #tpu.memory_space<vmem>>, vector<5000x128xf32>
    %slice3A = vector.extract_strided_slice %select_n3A_19 {offsets = [0, 0], sizes = [5000, 1], strides = [1, 1]} : vector<5120x2xf32> to vector<5000x1xf32>
    %mul3A = vector.broadcast %slice3A : vector<5000x1xf32> to vector<5000x128xf32>
    %mul3A_25 = arith.mulf %get3A_24, %mul3A : vector<5000x128xf32>
    %swap3A_26 = arith.constant 0 : index
    %swap3A_27 = arith.constant 0 : index
    %swap3A_28 = vector.load %arg3[%swap3A_26, %swap3A_27] : memref<5008x128xf32, #tpu.memory_space<vmem>>, vector<5000x128xf32>
    tpu.vector_store %arg3[%swap3A_26, %swap3A_27], %mul3A_25 {strides = array<i32>} : memref<5008x128xf32, #tpu.memory_space<vmem>>, vector<5000x128xf32>,
    %broadcast_in_dim3A_29 = arith.constant 0.000000e+00 : f32
    %broadcast_in_dim3A_30 = vector.broadcast %broadcast_in_dim3A_29 : f32 to vector<8x128xf32>
    %swap3A_31 = arith.constant 5000 : index
    %swap3A_32 = arith.constant 0 : index
    %swap3A_33 = vector.load %arg3[%swap3A_31, %swap3A_32] : memref<5008x128xf32, #tpu.memory_space<vmem>>, vector<8x128xf32>
    tpu.vector_store %arg3[%swap3A_31, %swap3A_32], %broadcast_in_dim3A_30 {strides = array<i32>} : memref<5008x128xf32, #tpu.memory_space<vmem>>, vector<8x128xf32>,
    %get3A_34 = arith.constant 0 : index
    %get3A_35 = arith.constant 0 : index
    %get3A_36 = vector.load %arg2[%get3A_34, %get3A_35] : memref<5000x128xf32, #tpu.memory_space<vmem>>, vector<5000x128xf32>
    %slice3A_37 = vector.extract_strided_slice %select_n3A_19 {offsets = [0, 1], sizes = [5000, 1], strides = [1, 1]} : vector<5120x2xf32> to vector<5000x1xf32>
    %mul3A_38 = vector.broadcast %slice3A_37 : vector<5000x1xf32> to vector<5000x128xf32>
    %mul3A_39 = arith.mulf %get3A_36, %mul3A_38 : vector<5000x128xf32>
    %swap3A_40 = arith.constant 0 : index
    %swap3A_41 = arith.constant 0 : index
    %swap3A_42 = vector.load %arg4[%swap3A_40, %swap3A_41] : memref<5008x128xf32, #tpu.memory_space<vmem>>, vector<5000x128xf32>
    tpu.vector_store %arg4[%swap3A_40, %swap3A_41], %mul3A_39 {strides = array<i32>} : memref<5008x128xf32, #tpu.memory_space<vmem>>, vector<5000x128xf32>,
    %broadcast_in_dim3A_43 = arith.constant 0.000000e+00 : f32
    %broadcast_in_dim3A_44 = vector.broadcast %broadcast_in_dim3A_43 : f32 to vector<8x128xf32>
    %swap3A_45 = arith.constant 5000 : index
    %swap3A_46 = arith.constant 0 : index
    %swap3A_47 = vector.load %arg4[%swap3A_45, %swap3A_46] : memref<5008x128xf32, #tpu.memory_space<vmem>>, vector<8x128xf32>
    tpu.vector_store %arg4[%swap3A_45, %swap3A_46], %broadcast_in_dim3A_44 {strides = array<i32>} : memref<5008x128xf32, #tpu.memory_space<vmem>>, vector<8x128xf32>,
    return
  }
}

module attributes {stable_mosaic.version = 14 : i64} {
  func.func @_fin_body(%arg0: memref<10016x128xf32, #tpu.memory_space<vmem>>, %arg1: memref<10016x128xf32, #tpu.memory_space<vmem>>, %arg2: memref<5120x2xf32, #tpu.memory_space<vmem>>, %arg3: memref<5000x128xf32, #tpu.memory_space<vmem>>, %arg4: memref<5000x128xf32, #tpu.memory_space<vmem>>) attributes {dimension_semantics = [], scalar_prefetch = 0 : i64, scratch_operands = 0 : i64, tpu.core_type = #tpu.core_type<tc>} {
    %get3A = arith.constant 0 : index
    %get3A_0 = arith.constant 0 : index
    %get3A_1 = vector.load %arg2[%get3A, %get3A_0] : memref<5120x2xf32, #tpu.memory_space<vmem>>, vector<5120x2xf32>
    %get3A_2 = arith.constant 0 : index
    %get3A_3 = arith.constant 0 : index
    %get3A_4 = vector.load %arg0[%get3A_2, %get3A_3] : memref<10016x128xf32, #tpu.memory_space<vmem>>, vector<5000x128xf32>
    %get3A_5 = arith.constant 5008 : index
    %get3A_6 = arith.constant 0 : index
    %get3A_7 = vector.load %arg0[%get3A_5, %get3A_6] : memref<10016x128xf32, #tpu.memory_space<vmem>>, vector<5000x128xf32>
    %add3A = arith.addf %get3A_4, %get3A_7 : vector<5000x128xf32>
    %slice3A = vector.extract_strided_slice %get3A_1 {offsets = [0, 1], sizes = [5000, 1], strides = [1, 1]} : vector<5120x2xf32> to vector<5000x1xf32>
    %mul3A = vector.broadcast %slice3A : vector<5000x1xf32> to vector<5000x128xf32>
    %mul3A_8 = arith.mulf %add3A, %mul3A : vector<5000x128xf32>
    %swap3A = arith.constant 0 : index
    %swap3A_9 = arith.constant 0 : index
    %swap3A_10 = vector.load %arg3[%swap3A, %swap3A_9] : memref<5000x128xf32, #tpu.memory_space<vmem>>, vector<5000x128xf32>
    tpu.vector_store %arg3[%swap3A, %swap3A_9], %mul3A_8 {strides = array<i32>} : memref<5000x128xf32, #tpu.memory_space<vmem>>, vector<5000x128xf32>,
    %get3A_11 = arith.constant 0 : index
    %get3A_12 = arith.constant 0 : index
    %get3A_13 = vector.load %arg1[%get3A_11, %get3A_12] : memref<10016x128xf32, #tpu.memory_space<vmem>>, vector<5000x128xf32>
    %get3A_14 = arith.constant 5008 : index
    %get3A_15 = arith.constant 0 : index
    %get3A_16 = vector.load %arg1[%get3A_14, %get3A_15] : memref<10016x128xf32, #tpu.memory_space<vmem>>, vector<5000x128xf32>
    %add3A_17 = arith.addf %get3A_13, %get3A_16 : vector<5000x128xf32>
    %slice3A_18 = vector.extract_strided_slice %get3A_1 {offsets = [0, 0], sizes = [5000, 1], strides = [1, 1]} : vector<5120x2xf32> to vector<5000x1xf32>
    %mul3A_19 = vector.broadcast %slice3A_18 : vector<5000x1xf32> to vector<5000x128xf32>
    %mul3A_20 = arith.mulf %add3A_17, %mul3A_19 : vector<5000x128xf32>
    %swap3A_21 = arith.constant 0 : index
    %swap3A_22 = arith.constant 0 : index
    %swap3A_23 = vector.load %arg4[%swap3A_21, %swap3A_22] : memref<5000x128xf32, #tpu.memory_space<vmem>>, vector<5000x128xf32>
    tpu.vector_store %arg4[%swap3A_21, %swap3A_22], %mul3A_20 {strides = array<i32>} : memref<5000x128xf32, #tpu.memory_space<vmem>>, vector<5000x128xf32>,
    return
  }
}

</mosaic_0001>

<sc_bundles>
// kernel: kernel.6.cloned.1.call-start
scs
__scs_entry_jumppad:
0x0: {  	(pc) =	sbr.rel $0x88, $3  }
0x1: {  	(tag) =	ssettag $0x0;
	lr =	simm.s32 $0x1  }
0x2: {  	[smem:$0x3F9E] =	sst lr;
	_ =	strace $0xD0000000  }
0x3: {  	_ = 	snop  }
0x4: {  	_ = 	snop  }
0x5: {  	_ = 	snop  }
0x6: {  	_ = 	snop  }
0x7: {  	_ = 	snop  }
__scs_overlays_trampoline_lowered:
0x8: {  	[smem:$0x3FAD] =	sst s0  }
0x9: {  	[smem:$0x3FAE] =	sst s1  }
0xa: {  	[smem:$0x3FAF] =	sst s2  }
0xb: {  	[smem:$0x3FB0] =	sst s3  }
0xc: {  	[smem:$0x3FB1] =	sst s4  }
0xd: {  	[smem:$0x3FB2] =	sst s5  }
0xe: {  	[smem:$0x3FB3] =	sst s6  }
0xf: {  	[smem:$0x3FB4] =	sst s7  }
0x10: {  	[smem:$0x3FB5] =	sst s8  }
0x11: {  	[smem:$0x3FB6] =	sst s9;
	s0 =	simm.s32 @!p0 $0x0  }
0x12: {  	s1 =	sld [smem:$0x3F9C];
	s0 =	simm.s32 @p0 $0x1  }
0x13: {  	[smem:$0x3FB7] =	sst s0;
	s0 =	simm.s32 @!p1 $0x0  }
0x14: {  	s2 =	sld [smem:$0x3F9B];
	s0 =	simm.s32 @p1 $0x1  }
0x15: {  	[smem:$0x3FB8] =	sst s0;
	s0 =	simm.s32 @!p2 $0x0  }
0x16: {  	s3 =	sld [smem:$0x3FDB];
	s0 =	simm.s32 @p2 $0x1  }
0x17: {  	s4 =	simm.s32 $0x1BF5;
	[smem:$0x3FBA] =	sst s0  }
0x18: {  	s0 =	sld [smem:$0x3F9D];
	_ =	swait.ge [sflag:s4], $0x0  }
0x19: {  	s7 =	sld [smem:$0x3F9E]  }
0x1a: {  	s8 =	sadd.s32 $0xFFFFE003, lr  }
0x1b: {  	s9 =	sadd.s32 $0xFFFFFEF7, lr;
	s5 =	simm.s32 $0xFFFFFFFF;
	p2 =	slt.u32 s8, $0xFFFFF086  }
0x1c: {  	p1 =	slt.u32 s9, $0xF7A;
	s5 =	simm.s32 @!p2 $0x0  }
0x1d: {  	s5 =	simm.s32 @p1 $0x1;
	p0 =	seq.s32 s7, s2  }
0x1e: {  	s7 =	smul.u32 @!p0 $0xF7A, s2;
	p2 =	seq.s32 @!p0 s5, $0x0  }
0x1f: {  	s9 =	smul.u32 $0xF7A, s1;
	s8 =	simm.s32 @!p0 $0x1BF5;
	p2 =	por !p2, p0  }
0x20: {  	[sflag:s8] =	ssyncset.s32 @!p0 $0xFFFFF086;
	s6 =	sadd.s32 @!p0 s3, s7;
	s7 =	simm.s32 @!p0 $0x108  }
0x21: {  	s3 =	sadd.s32 s3, s9;
	s6 =	sadd.s32 @!p0 $0x88, s6;
	s7 =	simm.s32 @p2 $0x1082  }
0x22: {  	[simem:s7], [sflag:s8] =	dma.local @!p0 [hbm:s6], $0xF7A  }
0x23: {  	s9 =	sor.u32 $0xD0000000, s2;
	s6 =	simm.s32 $0x108;
	_ =	swait.ge @!p0 [sflag:s8], $0x0  }
0x24: {  	s3 =	sadd.s32 $0x88, s3;
	s6 =	simm.s32 @!p1 $0x1082;
	[sflag:s4] =	ssyncset.s32 $0xFFFFF086  }
0x25: {  	[simem:s6], [sflag:s4] =	dma.local [hbm:s3], $0xF7A  }
0x26: {  	[smem:$0x3F9E] =	sst s1;
	(tag) =	ssettag s2;
	_ =	strace s9  }
0x27: {  	s1 =	sld [smem:$0x3FAE]  }
0x28: {  	s2 =	sld [smem:$0x3FAF]  }
0x29: {  	s4 =	sld [smem:$0x3FB1]  }
0x2a: {  	p0 =	seq.s32 s5, $0x0;
	s5 =	sld [smem:$0x3FB2]  }
0x2b: {  	s6 =	sld [smem:$0x3FB3]  }
0x2c: {  	s7 =	sld [smem:$0x3FB4]  }
0x2d: {  	s3 =	simm.s32 $0x108;
	s8 =	sld [smem:$0x3FB5]  }
0x2e: {  	s3 =	simm.s32 @!p0 $0x1082;
	s9 =	sld [smem:$0x3FB6]  }
0x2f: {  	lr =	sadd.s32 s0, s3;
	s0 =	sld [smem:$0x3FAD]  }
0x30: {  	s3 =	sld [smem:$0x3FB0]  }
0x31: {  	[smem:$0x3FB9] =	sst s10  }
0x32: {  	s10 =	sld [smem:$0x3FB7];
	_ =	sdelay $0x3  }
0x33: {  	p0 =	seq.s32 s10, $0x1;
	s10 =	sld [smem:$0x3FB9];
	_ =	sdelay $0x3  }
0x34: {  	[smem:$0x3FB9] =	sst s10  }
0x35: {  	s10 =	sld [smem:$0x3FB8];
	_ =	sdelay $0x3  }
0x36: {  	p1 =	seq.s32 s10, $0x1;
	s10 =	sld [smem:$0x3FB9];
	_ =	sdelay $0x3  }
0x37: {  	[smem:$0x3FB9] =	sst s10  }
0x38: {  	s10 =	sld [smem:$0x3FBA]  }
0x39: {  	_ = 	snop;
	(pc) =	sbr.ind lr, $3  }
0x3a: {  	_ = 	snop  }
0x3b: {  	_ = 	snop  }
0x3c: {  	p2 =	seq.s32 s10, $0x1;
	s10 =	sld [smem:$0x3FB9]  }
0x3d: {  	_ =	shalt  }
0x3e: {  	_ =	shalt  }
0x3f: {  	_ =	shalt  }
0x40: {  	_ =	shalt  }
0x41: {  	_ =	shalt  }
0x42: {  	_ =	shalt  }
0x43: {  	_ =	shalt  }
0x44: {  	_ =	shalt  }
0x45: {  	_ =	shalt  }
0x46: {  	_ =	shalt  }
0x47: {  	_ =	shalt  }
0x48: {  	_ =	shalt  }
0x49: {  	_ =	shalt  }
0x4a: {  	_ =	shalt  }
0x4b: {  	_ =	shalt  }
0x4c: {  	_ =	shalt  }
0x4d: {  	_ =	shalt  }
0x4e: {  	_ =	shalt  }
0x4f: {  	_ =	shalt  }
0x50: {  	_ =	shalt  }
0x51: {  	_ =	shalt  }
0x52: {  	_ =	shalt  }
0x53: {  	_ =	shalt  }
0x54: {  	_ =	shalt  }
0x55: {  	_ =	shalt  }
0x56: {  	_ =	shalt  }
0x57: {  	_ =	shalt  }
0x58: {  	_ =	shalt  }
0x59: {  	_ =	shalt  }
0x5a: {  	_ =	shalt  }
0x5b: {  	_ =	shalt  }
0x5c: {  	_ =	shalt  }
0x5d: {  	_ =	shalt  }
0x5e: {  	_ =	shalt  }
0x5f: {  	_ =	shalt  }
0x60: {  	_ =	shalt  }
0x61: {  	_ =	shalt  }
0x62: {  	_ =	shalt  }
0x63: {  	_ =	shalt  }
0x64: {  	_ =	shalt  }
0x65: {  	_ =	shalt  }
0x66: {  	_ =	shalt  }
0x67: {  	_ =	shalt  }
0x68: {  	_ =	shalt  }
0x69: {  	_ =	shalt  }
0x6a: {  	_ =	shalt  }
0x6b: {  	_ =	shalt  }
0x6c: {  	_ =	shalt  }
0x6d: {  	_ =	shalt  }
0x6e: {  	_ =	shalt  }
0x6f: {  	_ =	shalt  }
0x70: {  	_ =	shalt  }
0x71: {  	_ =	shalt  }
0x72: {  	_ =	shalt  }
0x73: {  	_ =	shalt  }
0x74: {  	_ =	shalt  }
0x75: {  	_ =	shalt  }
0x76: {  	_ =	shalt  }
0x77: {  	_ =	shalt  }
0x78: {  	_ =	shalt  }
0x79: {  	_ =	shalt  }
0x7a: {  	_ =	shalt  }
0x7b: {  	_ =	shalt  }
0x7c: {  	_ =	shalt  }
0x7d: {  	_ =	shalt  }
0x7e: {  	_ =	shalt  }
0x7f: {  	_ =	shalt  }
0x80: {  	_ =	shalt  }
0x81: {  	_ =	shalt  }
0x82: {  	_ =	shalt  }
0x83: {  	_ =	shalt  }
0x84: {  	_ =	shalt  }
0x85: {  	_ =	shalt  }
0x86: {  	_ =	shalt  }
0x87: {  	_ =	shalt  }
.Lfunc_end0:
.L_simem_size_0:
called_computation_lowered:
.L_overlay_start_0:
0x88: {  	s2 =	sld [smem:$0x3FD9]  }
0x89: {  	s3 =	sld [smem:$0x3FFE];
	_ =	sdelay $0x1  }
0x8a: {  	s1 =	srdreg.scid  }
0x8b: {  	s0 =	sand.u32 $0x1, s1  }
0x8c: {  	s16 =	sshll.u32 s0, $0xA;
	s2 =	sadd.s32 s3, s2  }
0x8d: {  	s2 =	sadd.s32 s2, s16  }
0x8e: {  	[smem:$0x3FC5] =	sst s2  }
0x8f: {  	_ = 	snop  }
0x90: {  	(tm) =	ssettm $0x1  }
0x91: {  	s17 =	sld [smem:$0x3FFB];
	_ =	sdelay $0x3  }
0x92: {  	_ =	strace s17  }
0x93: {  	s2 =	sld [smem:$0x3FFC];
	_ =	sdelay $0x3  }
0x94: {  	_ =	strace s2  }
0x95: {  	s2 =	sld [smem:$0x3FFD];
	_ =	sdelay $0x3  }
0x96: {  	_ =	strace s2  }
0x97: {  	_ =	strace $0x8FFFFFFF  }
0x98: {  	s18 =	sld [smem:$0x3FDB];
	_ =	sdelay $0x1  }
0x99: {  	s19 =	simm.s32 $_scs_section_size  }
0x9a: {  	s4 =	simm.s32 $_size__tile_overlayer_lowered;
	s5 =	simm.s32 $_tile_overlayer_lowered  }
0x9b: {  	s22 =	simm.s32 $0x1BFF;
	s21 =	sshll.u32 s5, $0x1;
	s2 =	sadd.s32 s19, s18  }
0x9c: {  	s6 =	simm.s32 $0x0;
	s20 =	sshll.u32 s4, $0x1;
	s4 =	sadd.s32 s21, s2  }
0x9d: {  	[timem:s6], [sflag:s22] =	dma.local [hbm:s4], s20  }
0x9e: {  	_ =	swait.ge [sflag:s22], s20  }
0x9f: {  	s3 =	ssub.s32 $0x0, s20;
	[sflag:s22] =	ssyncset.done $0x0  }
0xa0: {  	[sflag:s22] =	ssyncadd.s32 s3;
	_ =	sdelay $0x1  }
0xa1: {  	s23 =	simm.s32 $0x1B8B  }
0xa2: {  	_ =	swait.ge [sflag:s23], $0x1  }
0xa3: {  	[sflag:s23] =	ssyncset.done $0x0  }
0xa4: {  	s25 =	simm.s32 $0x1B8E;
	s24 =	sld [smem:$0x3FFE];
	[sflag:s23] =	ssyncadd.s32 $0xFFFFFFFF  }
0xa5: {  	s26 =	simm.s32 $execute0_lowered;
	[smem:$0x3FD2] =	sst s25  }
0xa6: {  	s4 =	sshll.u32 s26, $0x1;
	_ =	strace $0x80000046;
	[dreg:$0x1] =	wrdreg $0xFFFFFFFF  }
0xa7: {  	s28 =	simm.s32 $_size_execute0_lowered;
	s2 =	sadd.s32 s2, s4;
	[dreg:$0x0] =	wrdreg $0x0  }
0xa8: {  	s4 =	sshll.u32 s28, $0x1;
	[dreg:$0x2] =	wrdreg s2  }
0xa9: {  	[dreg:$0x3] =	wrdreg s4  }
0xaa: {  	[dreg:$0x4] =	wrdreg $0xC0  }
0xab: {  	_ =	task [dreg:s6], $0x5FFFF  }
0xac: {  	[dreg:$0x1] =	wrdreg $0xFFFFFFFF  }
0xad: {  	[dreg:$0x0] =	wrdreg $0x60  }
0xae: {  	[dreg:$0x2] =	wrdreg s24  }
0xaf: {  	[dreg:$0x3] =	wrdreg $0x9  }
0xb0: {  	_ =	task.clear_ibuf [dreg:s6], $0x4FFFF;
	_ =	strace $0x90000046  }
0xb1: {  	s29 =	simm.s32 $0x9;
	_ =	strace $0x80000048  }
0xb2: {  	_ =	swait.ge [sflag:s29], $0x1  }
0xb3: {  	[sflag:s29] =	ssyncadd.s32 $0xFFFFFFFF  }
0xb4: {  	_ =	strace $0x90000048  }
0xb5: {  	_ =	sfence  }
0xb6: {  	s30 =	sld [smem:$0x0];
	_ =	sdelay $0x2  }
0xb7: {  	s31 =	sshll.u32 s1, $0xD;
	s1 =	sshrl.u32 s1, $0x2  }
0xb8: {  	s3 =	sand.u32 $0x4000, s31;
	s1 =	sadd.s32 s1, s30  }
0xb9: {  	s0 =	sor.u32 s3, s0;
	s1 =	sshll.u32 s1, $0x11  }
0xba: {  	s0 =	sor.u32 s1, s0  }
0xbb: {  	s0 =	sadd.s32 $0x8F2B, s0  }
0xbc: {  	[sflag:s0] =	ssyncadd.remote.s32 $0x1  }
0xbd: {  	_ =	sfence.sel $0xFFFF  }
0xbe: {  	[dreg:$0x0] =	wrdreg $0xFFFFFFFF;
	(pc) =	sbr.abs _section_cstart, $3  }
0xbf: {  	[dreg:$0x1] =	wrdreg $0xFFFFFFFF  }
0xc0: {  	_ =	task.clear_ibuf [dreg:s6], $0x2FFFF;
	_ =	strace $0x9FFFFFFF  }
0xc1: {  	(tm) =	ssettm $0x7FFFFFFF  }
tec
execute0_lowered:
.L_overlay_start_1:
0x0: {  	(tag) =	ssettag $0x1  }
0x1: {  	s0 =	srdreg.scid  }
0x2: {  	s4 =	rddreg [dreg:$0x0];
	s3 =	sand.u32 $0x1, s0  }
0x3: {  	s1 =	stileid.u32;
	s2 =	simm.s32 $0x0;
	s5 =	sshll.u32 s3, $0x4  }
0x4: {  	s10 =	simm.s32 $0x16710;
	s11 =	simm.s32 $0x17B10;
	s5 =	sor.u32 s1, s5  }
0x5: {  	s12 =	simm.s32 $0x0;
	s0 =	rddreg [dreg:$0x1];
	s6 =	smul.u32 $0x4E2, s5  }
0x6: {  	[smem:$0x7FF] =	sst s2;
	s3 =	ssub.s32 $0x2, s3;
	s7 =	smul.u32 $0x1400, s5  }
0x7: {  	s8 =	sadd.s32 $0x15400, s4;
	s31 =	sshrl.u32 s3, $0x1;
	s5 =	smul.u32 $0x280, s5  }
0x8: {  	_ =	strace $0x80000047;
	s9 =	ssub.s32 s3, s31;
	s6 =	sadd.s32 s6, s4  }
0x9: {  	s7 =	sshrl.u32 s7, $0x3;
	s5 =	sadd.s32 s8, s5;
	s3 =	sadd.s32 $0xB600, s6  }
0xa: {  	v1 =	vlaneseq.u32;
	s7 =	sadd.s32 s8, s7;
	s4 =	sadd.s32 $0x1800, s6;
	s8 =	simm.s32 $0x1  }
0xb: {  	v0 =	vimm.f32 $0.0e+00;
	v2 =	vimm.f32 $1.000000000e+00;
	v1 =	vmul.u32 $0x1400, v1;
	s6 =	sadd.s32 $0x5000, s7;
	s7 =	smax.u32 s9, $0x1;
	s9 =	simm.s32 $0x2710  }
.LBB2_1:
0xc: {  	[tilespmem:s2], [sflag:$0x1] =	stream.linear.gather [hbm4b:s3+s2], $0x2710, $0x38;
	[tilespmem:$0x18F10] =	vst v63  }
0xd: {  	_ =	swait.ge [sflag:s8], $0x2710  }
0xe: {  	[sflag:s8] =	ssyncset.done $0x0  }
0xf: {  	s13 =	simm.s32 $0x0;
	s14 =	simm.s32 $0x200;
	[sflag:s8] =	ssyncadd.s32 $0xFFFFD8F0  }
.LBB2_2:
0x10: {  	p0 =	sne.s32 s14, $0x4FE00;
	[tilespmem:s13+$0x2780] =	vst v0  }
0x11: {  	[tilespmem:s13+$0x2710] =	vst v0  }
0x12: {  	[tilespmem:s13+$0x2720] =	vst v0  }
.Ltmp0:
0x13: {  	[tilespmem:s13+$0x2730] =	vst v0;
	(pc) =	sbr.rel @p0 .LBB2_2-.Ltmp0, $4  }
0x14: {  	[tilespmem:s13+$0x2740] =	vst v0  }
0x15: {  	[tilespmem:s13+$0x2750] =	vst v0  }
0x16: {  	[tilespmem:s13+$0x2760] =	vst v0  }
0x17: {  	[tilespmem:s13+$0x2770] =	vst v0;
	s13 =	sshra.s32 s14, $0x2;
	s14 =	sadd.s32 $0x200, s14  }
0x18: {  	[tilespmem:s13+$0x2780] =	vst v0  }
0x19: {  	[tilespmem:s13+$0x2710] =	vst v0  }
0x1a: {  	[tilespmem:s13+$0x2720] =	vst v0  }
0x1b: {  	[tilespmem:s13+$0x2730] =	vst v0  }
0x1c: {  	[tilespmem:s13+$0x2740] =	vst v0  }
0x1d: {  	[tilespmem:s13+$0x2750] =	vst v0  }
0x1e: {  	[tilespmem:s13+$0x2760] =	vst v0  }
0x1f: {  	s14 =	simm.s32 $0x0;
	[tilespmem:s13+$0x2770] =	vst v0  }
.LBB2_4:
0x20: {  	s13 =	sshra.s32 s14, $0x2  }
0x21: {  	v3 =	vld [tilespmem:s13+$0x0];
	_ =	sdelay $0x4  }
0x22: {  	v3 =	vadd.s32 v1, v3;
	_ =	sdelay $0x4  }
0x23: {  	[tilespmem:v3+s9+$0x0] =	vst.idx.add.f32.msk $0xffff, v2  }
0x24: {  	v3 =	vld [tilespmem:s13+$0x10];
	_ =	sdelay $0x4  }
0x25: {  	v3 =	vadd.s32 v1, v3;
	_ =	sdelay $0x4  }
0x26: {  	[tilespmem:v3+s9+$0x0] =	vst.idx.add.f32.msk $0xffff, v2  }
0x27: {  	v3 =	vld [tilespmem:s13+$0x20];
	_ =	sdelay $0x4  }
0x28: {  	v3 =	vadd.s32 v1, v3;
	_ =	sdelay $0x4  }
0x29: {  	[tilespmem:v3+s9+$0x0] =	vst.idx.add.f32.msk $0xffff, v2  }
0x2a: {  	v3 =	vld [tilespmem:s13+$0x30];
	_ =	sdelay $0x4  }
0x2b: {  	v3 =	vadd.s32 v1, v3;
	_ =	sdelay $0x4  }
0x2c: {  	[tilespmem:v3+s9+$0x0] =	vst.idx.add.f32.msk $0xffff, v2  }
0x2d: {  	v3 =	vld [tilespmem:s13+$0x40];
	_ =	sdelay $0x4  }
0x2e: {  	p0 =	sne.s32 s14, $0x9B00;
	v3 =	vadd.s32 v1, v3  }
.Ltmp1:
0x2f: {  	_ = 	snop;
	(pc) =	sbr.rel @p0 .LBB2_4-.Ltmp1, $2  }
0x30: {  	_ =	sdelay $0x2  }
0x31: {  	s14 =	sadd.s32 $0x140, s14;
	[tilespmem:v3+s9+$0x0] =	vst.idx.add.f32.msk $0xffff, v2  }
0x32: {  	s14 =	simm.s32 $0x0  }
0x33: {  	v3 =	vld [tilespmem:s14+$0x2710]  }
0x34: {  	v4 =	vld [tilespmem:s14+$0x3B10];
	_ =	sdelay $0x1  }
0x35: {  	v5 =	vld [tilespmem:s14+$0x4F10];
	_ =	sdelay $0x1  }
0x36: {  	v6 =	vld [tilespmem:s14+$0x6310]  }
0x37: {  	v3 =	vadd.f32 v4, v3  }
0x38: {  	v4 =	vld [tilespmem:s14+$0x7710]  }
0x39: {  	v3 =	vadd.f32 v5, v3  }
0x3a: {  	v5 =	vld [tilespmem:s14+$0x8B10]  }
0x3b: {  	v3 =	vadd.f32 v6, v3  }
0x3c: {  	v6 =	vld [tilespmem:s14+$0x9F10]  }
0x3d: {  	v3 =	vadd.f32 v4, v3  }
0x3e: {  	v4 =	vld [tilespmem:s14+$0xB310]  }
0x3f: {  	s13 =	simm.s32 $0x10;
	v7 =	vld [tilespmem:s14+$0xC710];
	v3 =	vadd.f32 v5, v3  }
0x40: {  	v8 =	vld [tilespmem:s13+$0x2710]  }
0x41: {  	v5 =	vld [tilespmem:s14+$0xDB10];
	v3 =	vadd.f32 v6, v3  }
0x42: {  	v6 =	vld [tilespmem:s13+$0x3B10]  }
0x43: {  	v9 =	vld [tilespmem:s13+$0x4F10];
	v3 =	vadd.f32 v4, v3  }
0x44: {  	v4 =	vld [tilespmem:s14+$0xEF10]  }
0x45: {  	v10 =	vld [tilespmem:s13+$0x6310];
	v3 =	vadd.f32 v7, v3  }
0x46: {  	v7 =	vld [tilespmem:s14+$0x10310]  }
0x47: {  	v6 =	vadd.f32 v6, v8;
	v8 =	vld [tilespmem:s13+$0x7710];
	v3 =	vadd.f32 v5, v3  }
0x48: {  	v5 =	vld [tilespmem:s14+$0x11710]  }
0x49: {  	v6 =	vadd.f32 v9, v6;
	v9 =	vld [tilespmem:s13+$0x8B10];
	v3 =	vadd.f32 v4, v3  }
0x4a: {  	v4 =	vld [tilespmem:s14+$0x12B10]  }
0x4b: {  	v11 =	vld [tilespmem:s13+$0x9F10];
	v6 =	vadd.f32 v10, v6;
	v3 =	vadd.f32 v7, v3  }
0x4c: {  	v10 =	vld [tilespmem:s14+$0x13F10]  }
0x4d: {  	v7 =	vadd.f32 v8, v6;
	v6 =	vld [tilespmem:s13+$0xB310];
	v8 =	vadd.f32 v5, v3  }
0x4e: {  	v5 =	vld [tilespmem:s14+$0x15310]  }
0x4f: {  	v3 =	vld [tilespmem:s13+$0xDB10];
	v9 =	vadd.f32 v9, v7;
	v12 =	vadd.f32 v4, v8  }
0x50: {  	s15 =	simm.s32 $0x20;
	v7 =	vld [tilespmem:s13+$0xC710]  }
0x51: {  	s16 =	simm.s32 $0xC0;
	v4 =	vld [tilespmem:s15+$0x2710];
	v8 =	vadd.f32 v11, v9;
	v9 =	vadd.f32 v10, v12  }
.LBB2_6:
0x52: {  	p0 =	sne.s32 s16, $0x4FC0;
	v10 =	vld [tilespmem:s15+$0x3B10]  }
0x53: {  	v6 =	vadd.f32 v6, v8;
	v8 =	vld [tilespmem:s13+$0xEF10];
	v5 =	vadd.f32 v5, v9  }
0x54: {  	v9 =	vld [tilespmem:s15+$0x4F10]  }
0x55: {  	v6 =	vadd.f32 v7, v6;
	v7 =	vld [tilespmem:s13+$0x10310];
	[tilespmem:s14+$0x16710] =	vst v5;
	s14 =	smov.u32 s13;
	s13 =	smov.u32 s15  }
0x56: {  	v5 =	vld [tilespmem:s13+$0x6310]  }
0x57: {  	v4 =	vadd.f32 v10, v4;
	v3 =	vadd.f32 v3, v6;
	v6 =	vld [tilespmem:s14+$0x11710]  }
0x58: {  	v10 =	vld [tilespmem:s13+$0x7710]  }
0x59: {  	v4 =	vadd.f32 v9, v4;
	v3 =	vadd.f32 v8, v3;
	v8 =	vld [tilespmem:s14+$0x12B10]  }
0x5a: {  	v9 =	vld [tilespmem:s13+$0x8B10]  }
0x5b: {  	v4 =	vadd.f32 v5, v4;
	v3 =	vadd.f32 v7, v3;
	v11 =	vld [tilespmem:s14+$0x13F10]  }
0x5c: {  	v12 =	vld [tilespmem:s13+$0x9F10]  }
.Ltmp2:
0x5d: {  	v4 =	vadd.f32 v10, v4;
	v7 =	vadd.f32 v6, v3;
	v5 =	vld [tilespmem:s14+$0x15310];
	(pc) =	sbr.rel @p0 .LBB2_6-.Ltmp2, $4  }
0x5e: {  	v6 =	vld [tilespmem:s13+$0xB310]  }
0x5f: {  	v9 =	vadd.f32 v9, v4;
	v3 =	vld [tilespmem:s13+$0xDB10];
	v10 =	vadd.f32 v8, v7  }
0x60: {  	s15 =	sshra.s32 s16, $0x2;
	v7 =	vld [tilespmem:s13+$0xC710]  }
0x61: {  	s16 =	sadd.s32 $0x40, s16;
	v4 =	vld [tilespmem:s15+$0x2710];
	v8 =	vadd.f32 v12, v9;
	v9 =	vadd.f32 v11, v10  }
0x62: {  	v10 =	vld [tilespmem:s15+$0x3B10]  }
0x63: {  	v11 =	vld [tilespmem:s13+$0xEF10];
	v5 =	vadd.f32 v5, v9  }
0x64: {  	v47 =	vld [tilespmem:s15+$0x4F10]  }
0x65: {  	v12 =	vld [tilespmem:s13+$0x10310];
	v6 =	vadd.f32 v6, v8;
	[tilespmem:s14+$0x16710] =	vst v5  }
0x66: {  	v5 =	vld [tilespmem:s15+$0x6310]  }
0x67: {  	v6 =	vadd.f32 v7, v6;
	v4 =	vadd.f32 v10, v4  }
0x68: {  	v48 =	vld [tilespmem:s15+$0x7710]  }
0x69: {  	v49 =	vld [tilespmem:s13+$0x11710];
	v3 =	vadd.f32 v3, v6;
	v4 =	vadd.f32 v47, v4  }
0x6a: {  	v50 =	vld [tilespmem:s15+$0x8B10]  }
0x6b: {  	v51 =	vld [tilespmem:s13+$0x12B10];
	v3 =	vadd.f32 v11, v3;
	v4 =	vadd.f32 v5, v4  }
0x6c: {  	v52 =	vld [tilespmem:s15+$0x9F10]  }
0x6d: {  	v53 =	vld [tilespmem:s13+$0x13F10];
	v3 =	vadd.f32 v12, v3;
	v4 =	vadd.f32 v48, v4  }
0x6e: {  	v54 =	vld [tilespmem:s15+$0xB310]  }
0x6f: {  	v55 =	vld [tilespmem:s13+$0x15310];
	v3 =	vadd.f32 v49, v3;
	v4 =	vadd.f32 v50, v4  }
0x70: {  	v56 =	vld [tilespmem:s15+$0xC710]  }
0x71: {  	v3 =	vadd.f32 v51, v3;
	v4 =	vadd.f32 v52, v4  }
0x72: {  	v57 =	vld [tilespmem:s15+$0xDB10]  }
0x73: {  	v3 =	vadd.f32 v53, v3;
	v4 =	vadd.f32 v54, v4  }
0x74: {  	v58 =	vld [tilespmem:s15+$0xEF10]  }
0x75: {  	v3 =	vadd.f32 v55, v3;
	v4 =	vadd.f32 v56, v4  }
0x76: {  	v59 =	vld [tilespmem:s15+$0x10310]  }
0x77: {  	[tilespmem:s13+$0x16710] =	vst v3;
	v3 =	vadd.f32 v57, v4  }
0x78: {  	v60 =	vld [tilespmem:s15+$0x11710]  }
0x79: {  	v3 =	vadd.f32 v58, v3  }
0x7a: {  	v61 =	vld [tilespmem:s15+$0x12B10]  }
0x7b: {  	v3 =	vadd.f32 v59, v3  }
0x7c: {  	v62 =	vld [tilespmem:s15+$0x13F10]  }
0x7d: {  	v3 =	vadd.f32 v60, v3  }
0x7e: {  	v63 =	vld [tilespmem:s15+$0x15310]  }
0x7f: {  	v3 =	vadd.f32 v61, v3;
	_ =	sdelay $0x1  }
0x80: {  	v3 =	vadd.f32 v62, v3;
	_ =	sdelay $0x1  }
0x81: {  	v3 =	vadd.f32 v63, v3;
	_ =	sdelay $0x1  }
0x82: {  	s13 =	simm.s32 $0x0;
	[tilespmem:s15+$0x16710] =	vst v3  }
0x83: {  	[tilespmem:s13], [sflag:$0x1] =	stream.linear.gather [hbm4b:s4+s13], $0x2710, $0x38;
	[tilespmem:$0x18F10] =	vst v63  }
0x84: {  	_ =	swait.ge [sflag:s8], $0x2710  }
0x85: {  	[sflag:s8] =	ssyncset.done $0x0  }
0x86: {  	s14 =	simm.s32 $0x0;
	s15 =	simm.s32 $0x200;
	[sflag:s8] =	ssyncadd.s32 $0xFFFFD8F0  }
.LBB2_8:
0x87: {  	p0 =	sne.s32 s15, $0x4FE00;
	[tilespmem:s14+$0x2780] =	vst v0  }
0x88: {  	[tilespmem:s14+$0x2710] =	vst v0  }
0x89: {  	[tilespmem:s14+$0x2720] =	vst v0  }
.Ltmp3:
0x8a: {  	[tilespmem:s14+$0x2730] =	vst v0;
	(pc) =	sbr.rel @p0 .LBB2_8-.Ltmp3, $4  }
0x8b: {  	[tilespmem:s14+$0x2740] =	vst v0  }
0x8c: {  	[tilespmem:s14+$0x2750] =	vst v0  }
0x8d: {  	[tilespmem:s14+$0x2760] =	vst v0  }
0x8e: {  	[tilespmem:s14+$0x2770] =	vst v0;
	s14 =	sshra.s32 s15, $0x2;
	s15 =	sadd.s32 $0x200, s15  }
0x8f: {  	[tilespmem:s14+$0x2780] =	vst v0  }
0x90: {  	[tilespmem:s14+$0x2710] =	vst v0  }
0x91: {  	[tilespmem:s14+$0x2720] =	vst v0  }
0x92: {  	[tilespmem:s14+$0x2730] =	vst v0  }
0x93: {  	[tilespmem:s14+$0x2740] =	vst v0  }
0x94: {  	[tilespmem:s14+$0x2750] =	vst v0  }
0x95: {  	[tilespmem:s14+$0x2760] =	vst v0  }
0x96: {  	[tilespmem:s14+$0x2770] =	vst v0  }
.LBB2_10:
0x97: {  	s14 =	sshra.s32 s13, $0x2  }
0x98: {  	v3 =	vld [tilespmem:s14+$0x0];
	_ =	sdelay $0x4  }
0x99: {  	v3 =	vadd.s32 v1, v3;
	_ =	sdelay $0x4  }
0x9a: {  	[tilespmem:v3+s9+$0x0] =	vst.idx.add.f32.msk $0xffff, v2  }
0x9b: {  	v3 =	vld [tilespmem:s14+$0x10];
	_ =	sdelay $0x4  }
0x9c: {  	v3 =	vadd.s32 v1, v3;
	_ =	sdelay $0x4  }
0x9d: {  	[tilespmem:v3+s9+$0x0] =	vst.idx.add.f32.msk $0xffff, v2  }
0x9e: {  	v3 =	vld [tilespmem:s14+$0x20];
	_ =	sdelay $0x4  }
0x9f: {  	v3 =	vadd.s32 v1, v3;
	_ =	sdelay $0x4  }
0xa0: {  	[tilespmem:v3+s9+$0x0] =	vst.idx.add.f32.msk $0xffff, v2  }
0xa1: {  	v3 =	vld [tilespmem:s14+$0x30];
	_ =	sdelay $0x4  }
0xa2: {  	v3 =	vadd.s32 v1, v3;
	_ =	sdelay $0x4  }
0xa3: {  	[tilespmem:v3+s9+$0x0] =	vst.idx.add.f32.msk $0xffff, v2  }
0xa4: {  	v3 =	vld [tilespmem:s14+$0x40];
	_ =	sdelay $0x4  }
0xa5: {  	p0 =	sne.s32 s13, $0x9B00;
	v3 =	vadd.s32 v1, v3  }
.Ltmp4:
0xa6: {  	_ = 	snop;
	(pc) =	sbr.rel @p0 .LBB2_10-.Ltmp4, $2  }
0xa7: {  	_ =	sdelay $0x2  }
0xa8: {  	s13 =	sadd.s32 $0x140, s13;
	[tilespmem:v3+s9+$0x0] =	vst.idx.add.f32.msk $0xffff, v2  }
0xa9: {  	s14 =	simm.s32 $0x0  }
0xaa: {  	v3 =	vld [tilespmem:s14+$0x2710]  }
0xab: {  	v4 =	vld [tilespmem:s14+$0x3B10];
	_ =	sdelay $0x1  }
0xac: {  	v5 =	vld [tilespmem:s14+$0x4F10];
	_ =	sdelay $0x1  }
0xad: {  	v6 =	vld [tilespmem:s14+$0x6310]  }
0xae: {  	v3 =	vadd.f32 v4, v3  }
0xaf: {  	v4 =	vld [tilespmem:s14+$0x7710]  }
0xb0: {  	v3 =	vadd.f32 v5, v3  }
0xb1: {  	v5 =	vld [tilespmem:s14+$0x8B10]  }
0xb2: {  	v3 =	vadd.f32 v6, v3  }
0xb3: {  	v6 =	vld [tilespmem:s14+$0x9F10]  }
0xb4: {  	v3 =	vadd.f32 v4, v3  }
0xb5: {  	v4 =	vld [tilespmem:s14+$0xB310]  }
0xb6: {  	s13 =	simm.s32 $0x10;
	v7 =	vld [tilespmem:s14+$0xC710];
	v3 =	vadd.f32 v5, v3  }
0xb7: {  	v8 =	vld [tilespmem:s13+$0x2710]  }
0xb8: {  	v5 =	vld [tilespmem:s14+$0xDB10];
	v3 =	vadd.f32 v6, v3  }
0xb9: {  	v6 =	vld [tilespmem:s13+$0x3B10]  }
0xba: {  	v9 =	vld [tilespmem:s13+$0x4F10];
	v3 =	vadd.f32 v4, v3  }
0xbb: {  	v4 =	vld [tilespmem:s14+$0xEF10]  }
0xbc: {  	v10 =	vld [tilespmem:s13+$0x6310];
	v3 =	vadd.f32 v7, v3  }
0xbd: {  	v7 =	vld [tilespmem:s14+$0x10310]  }
0xbe: {  	v6 =	vadd.f32 v6, v8;
	v8 =	vld [tilespmem:s13+$0x7710];
	v3 =	vadd.f32 v5, v3  }
0xbf: {  	v5 =	vld [tilespmem:s14+$0x11710]  }
0xc0: {  	v6 =	vadd.f32 v9, v6;
	v9 =	vld [tilespmem:s13+$0x8B10];
	v3 =	vadd.f32 v4, v3  }
0xc1: {  	v4 =	vld [tilespmem:s14+$0x12B10]  }
0xc2: {  	v11 =	vld [tilespmem:s13+$0x9F10];
	v6 =	vadd.f32 v10, v6;
	v3 =	vadd.f32 v7, v3  }
0xc3: {  	v10 =	vld [tilespmem:s14+$0x13F10]  }
0xc4: {  	v7 =	vadd.f32 v8, v6;
	v6 =	vld [tilespmem:s13+$0xB310];
	v8 =	vadd.f32 v5, v3  }
0xc5: {  	v5 =	vld [tilespmem:s14+$0x15310]  }
0xc6: {  	v3 =	vld [tilespmem:s13+$0xDB10];
	v9 =	vadd.f32 v9, v7;
	v12 =	vadd.f32 v4, v8  }
0xc7: {  	s15 =	simm.s32 $0x20;
	v7 =	vld [tilespmem:s13+$0xC710]  }
0xc8: {  	s16 =	simm.s32 $0xC0;
	v4 =	vld [tilespmem:s15+$0x2710];
	v8 =	vadd.f32 v11, v9;
	v9 =	vadd.f32 v10, v12  }
.LBB2_12:
0xc9: {  	p0 =	sne.s32 s16, $0x4FC0;
	v10 =	vld [tilespmem:s15+$0x3B10]  }
0xca: {  	v6 =	vadd.f32 v6, v8;
	v8 =	vld [tilespmem:s13+$0xEF10];
	v5 =	vadd.f32 v5, v9  }
0xcb: {  	v9 =	vld [tilespmem:s15+$0x4F10]  }
0xcc: {  	v6 =	vadd.f32 v7, v6;
	v7 =	vld [tilespmem:s13+$0x10310];
	[tilespmem:s14+$0x17B10] =	vst v5;
	s14 =	smov.u32 s13;
	s13 =	smov.u32 s15  }
0xcd: {  	v5 =	vld [tilespmem:s13+$0x6310]  }
0xce: {  	v4 =	vadd.f32 v10, v4;
	v3 =	vadd.f32 v3, v6;
	v6 =	vld [tilespmem:s14+$0x11710]  }
0xcf: {  	v10 =	vld [tilespmem:s13+$0x7710]  }
0xd0: {  	v4 =	vadd.f32 v9, v4;
	v3 =	vadd.f32 v8, v3;
	v8 =	vld [tilespmem:s14+$0x12B10]  }
0xd1: {  	v9 =	vld [tilespmem:s13+$0x8B10]  }
0xd2: {  	v4 =	vadd.f32 v5, v4;
	v3 =	vadd.f32 v7, v3;
	v11 =	vld [tilespmem:s14+$0x13F10]  }
0xd3: {  	v12 =	vld [tilespmem:s13+$0x9F10]  }
.Ltmp5:
0xd4: {  	v4 =	vadd.f32 v10, v4;
	v7 =	vadd.f32 v6, v3;
	v5 =	vld [tilespmem:s14+$0x15310];
	(pc) =	sbr.rel @p0 .LBB2_12-.Ltmp5, $4  }
0xd5: {  	v6 =	vld [tilespmem:s13+$0xB310]  }
0xd6: {  	v9 =	vadd.f32 v9, v4;
	v3 =	vld [tilespmem:s13+$0xDB10];
	v10 =	vadd.f32 v8, v7  }
0xd7: {  	s15 =	sshra.s32 s16, $0x2;
	v7 =	vld [tilespmem:s13+$0xC710]  }
0xd8: {  	s16 =	sadd.s32 $0x40, s16;
	v4 =	vld [tilespmem:s15+$0x2710];
	v8 =	vadd.f32 v12, v9;
	v9 =	vadd.f32 v11, v10  }
0xd9: {  	v10 =	vld [tilespmem:s15+$0x3B10]  }
0xda: {  	v11 =	vld [tilespmem:s13+$0xEF10];
	v5 =	vadd.f32 v5, v9  }
0xdb: {  	v47 =	vld [tilespmem:s15+$0x4F10]  }
0xdc: {  	v12 =	vld [tilespmem:s13+$0x10310];
	v6 =	vadd.f32 v6, v8;
	[tilespmem:s14+$0x17B10] =	vst v5  }
0xdd: {  	v5 =	vld [tilespmem:s15+$0x6310]  }
0xde: {  	v6 =	vadd.f32 v7, v6;
	v4 =	vadd.f32 v10, v4  }
0xdf: {  	v48 =	vld [tilespmem:s15+$0x7710]  }
0xe0: {  	v49 =	vld [tilespmem:s13+$0x11710];
	v3 =	vadd.f32 v3, v6;
	v4 =	vadd.f32 v47, v4  }
0xe1: {  	v50 =	vld [tilespmem:s15+$0x8B10]  }
0xe2: {  	v51 =	vld [tilespmem:s13+$0x12B10];
	v3 =	vadd.f32 v11, v3;
	v4 =	vadd.f32 v5, v4  }
0xe3: {  	v52 =	vld [tilespmem:s15+$0x9F10]  }
0xe4: {  	v53 =	vld [tilespmem:s13+$0x13F10];
	v3 =	vadd.f32 v12, v3;
	v4 =	vadd.f32 v48, v4  }
0xe5: {  	v54 =	vld [tilespmem:s15+$0xB310]  }
0xe6: {  	v55 =	vld [tilespmem:s13+$0x15310];
	v3 =	vadd.f32 v49, v3;
	v4 =	vadd.f32 v50, v4  }
0xe7: {  	v56 =	vld [tilespmem:s15+$0xC710]  }
0xe8: {  	v3 =	vadd.f32 v51, v3;
	v4 =	vadd.f32 v52, v4  }
0xe9: {  	v57 =	vld [tilespmem:s15+$0xDB10]  }
0xea: {  	v3 =	vadd.f32 v53, v3;
	v4 =	vadd.f32 v54, v4  }
0xeb: {  	v58 =	vld [tilespmem:s15+$0xEF10]  }
0xec: {  	v3 =	vadd.f32 v55, v3;
	v4 =	vadd.f32 v56, v4  }
0xed: {  	v59 =	vld [tilespmem:s15+$0x10310]  }
0xee: {  	[tilespmem:s13+$0x17B10] =	vst v3;
	v3 =	vadd.f32 v57, v4  }
0xef: {  	v60 =	vld [tilespmem:s15+$0x11710]  }
0xf0: {  	v3 =	vadd.f32 v58, v3  }
0xf1: {  	v61 =	vld [tilespmem:s15+$0x12B10]  }
0xf2: {  	v3 =	vadd.f32 v59, v3  }
0xf3: {  	v62 =	vld [tilespmem:s15+$0x13F10]  }
0xf4: {  	v3 =	vadd.f32 v60, v3  }
0xf5: {  	v63 =	vld [tilespmem:s15+$0x15310]  }
0xf6: {  	v3 =	vadd.f32 v61, v3;
	_ =	sdelay $0x1  }
0xf7: {  	v3 =	vadd.f32 v62, v3;
	_ =	sdelay $0x1  }
0xf8: {  	v3 =	vadd.f32 v63, v3;
	_ =	sdelay $0x1  }
0xf9: {  	[tilespmem:s15+$0x17B10] =	vst v3  }
0xfa: {  	[hbm4b:s5+s2] =	stream.linear.scatter [tilespmem:s10], [sflag:$0x1], $0x1400, $0x38;
	[tilespmem:$0x18F10] =	vst v63  }
0xfb: {  	s12 =	sadd.s32 $0x1, s12;
	_ =	swait.ge [sflag:s8], $0x1400  }
0xfc: {  	p0 =	sne.s32 s12, s7;
	[sflag:s8] =	ssyncset.done $0x0  }
.Ltmp6:
0xfd: {  	[sflag:s8] =	ssyncadd.s32 $0xFFFFEC00;
	(pc) =	sbr.rel @p0 .LBB2_1-.Ltmp6, $4  }
0xfe: {  	[hbm4b:s6+s2] =	stream.linear.scatter [tilespmem:s11], [sflag:$0x1], $0x1400, $0x38;
	[tilespmem:$0x18F10] =	vst v63  }
0xff: {  	_ =	swait.ge [sflag:s8], $0x1400  }
0x100: {  	[sflag:s8] =	ssyncset.done $0x0  }
0x101: {  	[sflag:s8] =	ssyncadd.s32 $0xFFFFEC00  }
0x102: {  	_ =	sfence.sel $0x180000  }
0x103: {  	[bflag:$0x0] =	sbarrier.arrive $0xFFFF  }
0x104: {  	p0 =	sne.s32 s1, $0x0;
	_ =	strace $0x90000047  }
0x105: {  	s0 =	sadd.s32 @!p0 $0x100000, s0;
	[bflag:$0x2] =	sbarrier.arrive $0xFFFF  }
0x106: {  	[sflag:s0] =	ssyncadd.tile.s32 @!p0 $0x1;
	_ =	shalt  }
.Lfunc_end2:
_tile_overlayer_lowered:
.L_overlay_start_2:
0x107: {  	(tag) =	ssettag $0x2  }
0x108: {  	s0 =	rddreg [dreg:$0x0];
	s2 =	stileid.u32  }
0x109: {  	s1 =	rddreg [dreg:$0x1];
	p0 =	sne.s32 s2, $0x0  }
0x10a: {  	s3 =	rddreg [dreg:$0x2];
	[bflag:$0x3] =	sbarrier.arrive $0xFFFF;
	s2 =	simm.s32 @!p0 $0x1C01  }
0x10b: {  	[timem:s3], [sflag:s2] =	dma.local @!p0 [hbm:s0], s1  }
0x10c: {  	s0 =	simm.s32 @!p0 $0x1  }
0x10d: {  	_ =	swait.ge @!p0 [sflag:s0], s1  }
0x10e: {  	s1 =	ssub.s32 @!p0 $0x0, s1;
	[sflag:s0] =	ssyncset.done @!p0 $0x0  }
0x10f: {  	[sflag:s0] =	ssyncadd.s32 @!p0 s1  }
0x110: {  	[bflag:$0x3] =	sbarrier.arrive $0xFFFF  }
0x111: {  	_ =	shalt  }

// kernel: kernel.9.cloned.1.call-start
scs
__scs_entry_jumppad:
0x0: {  	(pc) =	sbr.rel $0x88, $3  }
0x1: {  	(tag) =	ssettag $0x0;
	lr =	simm.s32 $0x1  }
0x2: {  	[smem:$0x3F9E] =	sst lr;
	_ =	strace $0xD0000000  }
0x3: {  	_ = 	snop  }
0x4: {  	_ = 	snop  }
0x5: {  	_ = 	snop  }
0x6: {  	_ = 	snop  }
0x7: {  	_ = 	snop  }
__scs_overlays_trampoline_lowered:
0x8: {  	[smem:$0x3FAD] =	sst s0  }
0x9: {  	[smem:$0x3FAE] =	sst s1  }
0xa: {  	[smem:$0x3FAF] =	sst s2  }
0xb: {  	[smem:$0x3FB0] =	sst s3  }
0xc: {  	[smem:$0x3FB1] =	sst s4  }
0xd: {  	[smem:$0x3FB2] =	sst s5  }
0xe: {  	[smem:$0x3FB3] =	sst s6  }
0xf: {  	[smem:$0x3FB4] =	sst s7  }
0x10: {  	[smem:$0x3FB5] =	sst s8  }
0x11: {  	[smem:$0x3FB6] =	sst s9;
	s0 =	simm.s32 @!p0 $0x0  }
0x12: {  	s1 =	sld [smem:$0x3F9C];
	s0 =	simm.s32 @p0 $0x1  }
0x13: {  	[smem:$0x3FB7] =	sst s0;
	s0 =	simm.s32 @!p1 $0x0  }
0x14: {  	s2 =	sld [smem:$0x3F9B];
	s0 =	simm.s32 @p1 $0x1  }
0x15: {  	[smem:$0x3FB8] =	sst s0;
	s0 =	simm.s32 @!p2 $0x0  }
0x16: {  	s3 =	sld [smem:$0x3FDB];
	s0 =	simm.s32 @p2 $0x1  }
0x17: {  	s4 =	simm.s32 $0x1BF5;
	[smem:$0x3FBA] =	sst s0  }
0x18: {  	s0 =	sld [smem:$0x3F9D];
	_ =	swait.ge [sflag:s4], $0x0  }
0x19: {  	s7 =	sld [smem:$0x3F9E]  }
0x1a: {  	s8 =	sadd.s32 $0xFFFFE003, lr  }
0x1b: {  	s9 =	sadd.s32 $0xFFFFFEF7, lr;
	s5 =	simm.s32 $0xFFFFFFFF;
	p2 =	slt.u32 s8, $0xFFFFF086  }
0x1c: {  	p1 =	slt.u32 s9, $0xF7A;
	s5 =	simm.s32 @!p2 $0x0  }
0x1d: {  	s5 =	simm.s32 @p1 $0x1;
	p0 =	seq.s32 s7, s2  }
0x1e: {  	s7 =	smul.u32 @!p0 $0xF7A, s2;
	p2 =	seq.s32 @!p0 s5, $0x0  }
0x1f: {  	s9 =	smul.u32 $0xF7A, s1;
	s8 =	simm.s32 @!p0 $0x1BF5;
	p2 =	por !p2, p0  }
0x20: {  	[sflag:s8] =	ssyncset.s32 @!p0 $0xFFFFF086;
	s6 =	sadd.s32 @!p0 s3, s7;
	s7 =	simm.s32 @!p0 $0x108  }
0x21: {  	s3 =	sadd.s32 s3, s9;
	s6 =	sadd.s32 @!p0 $0x88, s6;
	s7 =	simm.s32 @p2 $0x1082  }
0x22: {  	[simem:s7], [sflag:s8] =	dma.local @!p0 [hbm:s6], $0xF7A  }
0x23: {  	s9 =	sor.u32 $0xD0000000, s2;
	s6 =	simm.s32 $0x108;
	_ =	swait.ge @!p0 [sflag:s8], $0x0  }
0x24: {  	s3 =	sadd.s32 $0x88, s3;
	s6 =	simm.s32 @!p1 $0x1082;
	[sflag:s4] =	ssyncset.s32 $0xFFFFF086  }
0x25: {  	[simem:s6], [sflag:s4] =	dma.local [hbm:s3], $0xF7A  }
0x26: {  	[smem:$0x3F9E] =	sst s1;
	(tag) =	ssettag s2;
	_ =	strace s9  }
0x27: {  	s1 =	sld [smem:$0x3FAE]  }
0x28: {  	s2 =	sld [smem:$0x3FAF]  }
0x29: {  	s4 =	sld [smem:$0x3FB1]  }
0x2a: {  	p0 =	seq.s32 s5, $0x0;
	s5 =	sld [smem:$0x3FB2]  }
0x2b: {  	s6 =	sld [smem:$0x3FB3]  }
0x2c: {  	s7 =	sld [smem:$0x3FB4]  }
0x2d: {  	s3 =	simm.s32 $0x108;
	s8 =	sld [smem:$0x3FB5]  }
0x2e: {  	s3 =	simm.s32 @!p0 $0x1082;
	s9 =	sld [smem:$0x3FB6]  }
0x2f: {  	lr =	sadd.s32 s0, s3;
	s0 =	sld [smem:$0x3FAD]  }
0x30: {  	s3 =	sld [smem:$0x3FB0]  }
0x31: {  	[smem:$0x3FB9] =	sst s10  }
0x32: {  	s10 =	sld [smem:$0x3FB7];
	_ =	sdelay $0x3  }
0x33: {  	p0 =	seq.s32 s10, $0x1;
	s10 =	sld [smem:$0x3FB9];
	_ =	sdelay $0x3  }
0x34: {  	[smem:$0x3FB9] =	sst s10  }
0x35: {  	s10 =	sld [smem:$0x3FB8];
	_ =	sdelay $0x3  }
0x36: {  	p1 =	seq.s32 s10, $0x1;
	s10 =	sld [smem:$0x3FB9];
	_ =	sdelay $0x3  }
0x37: {  	[smem:$0x3FB9] =	sst s10  }
0x38: {  	s10 =	sld [smem:$0x3FBA]  }
0x39: {  	_ = 	snop;
	(pc) =	sbr.ind lr, $3  }
0x3a: {  	_ = 	snop  }
0x3b: {  	_ = 	snop  }
0x3c: {  	p2 =	seq.s32 s10, $0x1;
	s10 =	sld [smem:$0x3FB9]  }
0x3d: {  	_ =	shalt  }
0x3e: {  	_ =	shalt  }
0x3f: {  	_ =	shalt  }
0x40: {  	_ =	shalt  }
0x41: {  	_ =	shalt  }
0x42: {  	_ =	shalt  }
0x43: {  	_ =	shalt  }
0x44: {  	_ =	shalt  }
0x45: {  	_ =	shalt  }
0x46: {  	_ =	shalt  }
0x47: {  	_ =	shalt  }
0x48: {  	_ =	shalt  }
0x49: {  	_ =	shalt  }
0x4a: {  	_ =	shalt  }
0x4b: {  	_ =	shalt  }
0x4c: {  	_ =	shalt  }
0x4d: {  	_ =	shalt  }
0x4e: {  	_ =	shalt  }
0x4f: {  	_ =	shalt  }
0x50: {  	_ =	shalt  }
0x51: {  	_ =	shalt  }
0x52: {  	_ =	shalt  }
0x53: {  	_ =	shalt  }
0x54: {  	_ =	shalt  }
0x55: {  	_ =	shalt  }
0x56: {  	_ =	shalt  }
0x57: {  	_ =	shalt  }
0x58: {  	_ =	shalt  }
0x59: {  	_ =	shalt  }
0x5a: {  	_ =	shalt  }
0x5b: {  	_ =	shalt  }
0x5c: {  	_ =	shalt  }
0x5d: {  	_ =	shalt  }
0x5e: {  	_ =	shalt  }
0x5f: {  	_ =	shalt  }
0x60: {  	_ =	shalt  }
0x61: {  	_ =	shalt  }
0x62: {  	_ =	shalt  }
0x63: {  	_ =	shalt  }
0x64: {  	_ =	shalt  }
0x65: {  	_ =	shalt  }
0x66: {  	_ =	shalt  }
0x67: {  	_ =	shalt  }
0x68: {  	_ =	shalt  }
0x69: {  	_ =	shalt  }
0x6a: {  	_ =	shalt  }
0x6b: {  	_ =	shalt  }
0x6c: {  	_ =	shalt  }
0x6d: {  	_ =	shalt  }
0x6e: {  	_ =	shalt  }
0x6f: {  	_ =	shalt  }
0x70: {  	_ =	shalt  }
0x71: {  	_ =	shalt  }
0x72: {  	_ =	shalt  }
0x73: {  	_ =	shalt  }
0x74: {  	_ =	shalt  }
0x75: {  	_ =	shalt  }
0x76: {  	_ =	shalt  }
0x77: {  	_ =	shalt  }
0x78: {  	_ =	shalt  }
0x79: {  	_ =	shalt  }
0x7a: {  	_ =	shalt  }
0x7b: {  	_ =	shalt  }
0x7c: {  	_ =	shalt  }
0x7d: {  	_ =	shalt  }
0x7e: {  	_ =	shalt  }
0x7f: {  	_ =	shalt  }
0x80: {  	_ =	shalt  }
0x81: {  	_ =	shalt  }
0x82: {  	_ =	shalt  }
0x83: {  	_ =	shalt  }
0x84: {  	_ =	shalt  }
0x85: {  	_ =	shalt  }
0x86: {  	_ =	shalt  }
0x87: {  	_ =	shalt  }
.Lfunc_end0:
.L_simem_size_0:
called_computation.1_lowered:
.L_overlay_start_0:
0x88: {  	s2 =	sld [smem:$0x3FD9]  }
0x89: {  	s3 =	sld [smem:$0x3FFE];
	_ =	sdelay $0x1  }
0x8a: {  	s1 =	srdreg.scid  }
0x8b: {  	s0 =	sand.u32 $0x1, s1  }
0x8c: {  	s14 =	sshll.u32 s0, $0xA;
	s2 =	sadd.s32 s3, s2  }
0x8d: {  	s2 =	sadd.s32 s2, s14  }
0x8e: {  	[smem:$0x3FC5] =	sst s2  }
0x8f: {  	_ = 	snop  }
0x90: {  	s2 =	sld [smem:$0x3FD0];
	_ =	sdelay $0x2  }
0x91: {  	s15 =	simm.s32 $0xA;
	s4 =	simm.s32 $0x10  }
0x92: {  	[smem:s4], [sflag:s15] =	dma.local [hbm:s2], $0x1  }
0x93: {  	_ =	swait.eq [sflag:s15], $0x1  }
0x94: {  	[sflag:s15] =	ssyncset.done $0x0  }
0x95: {  	s16 =	sld [smem:$0x10];
	[sflag:s15] =	ssyncadd.s32 $0xFFFFFFFF  }
0x96: {  	s17 =	sld [smem:$0x11];
	(tm) =	ssettm $0x1  }
0x97: {  	s18 =	sld [smem:$0x3FFB];
	_ =	sdelay $0x3  }
0x98: {  	_ =	strace s18  }
0x99: {  	s4 =	sld [smem:$0x3FFC];
	_ =	sdelay $0x3  }
0x9a: {  	_ =	strace s4  }
0x9b: {  	s4 =	sld [smem:$0x3FFD];
	_ =	sdelay $0x3  }
0x9c: {  	_ =	strace s4  }
0x9d: {  	_ =	strace $0x8FFFFFFF  }
0x9e: {  	s19 =	sld [smem:$0x3FDB];
	_ =	sdelay $0x1  }
0x9f: {  	s5 =	simm.s32 $_scs_section_size  }
0xa0: {  	s6 =	simm.s32 $_size__tile_overlayer_lowered;
	s7 =	simm.s32 $_tile_overlayer_lowered  }
0xa1: {  	s22 =	simm.s32 $0x1BFF;
	s21 =	sshll.u32 s7, $0x1;
	s4 =	sadd.s32 s5, s19  }
0xa2: {  	s8 =	simm.s32 $0x0;
	s20 =	sshll.u32 s6, $0x1;
	s6 =	sadd.s32 s21, s4  }
0xa3: {  	[timem:s8], [sflag:s22] =	dma.local [hbm:s6], s20  }
0xa4: {  	_ =	swait.ge [sflag:s22], s20  }
0xa5: {  	s5 =	ssub.s32 $0x0, s20;
	[sflag:s22] =	ssyncset.done $0x0  }
0xa6: {  	[sflag:s22] =	ssyncadd.s32 s5;
	_ =	sdelay $0x1  }
0xa7: {  	s23 =	simm.s32 $0x1B8B  }
0xa8: {  	_ =	swait.ge [sflag:s23], $0x1  }
0xa9: {  	[sflag:s23] =	ssyncset.done $0x0  }
0xaa: {  	s25 =	simm.s32 $0x1B8E;
	s24 =	sld [smem:$0x3FFE];
	[sflag:s23] =	ssyncadd.s32 $0xFFFFFFFF  }
0xab: {  	s26 =	simm.s32 $execute0_lowered;
	[smem:$0x3FD2] =	sst s25  }
0xac: {  	s6 =	sshll.u32 s26, $0x1;
	_ =	strace $0x80000049;
	[dreg:$0x1] =	wrdreg $0xFFFFFFFF  }
0xad: {  	s28 =	simm.s32 $_size_execute0_lowered;
	s4 =	sadd.s32 s4, s6;
	[dreg:$0x0] =	wrdreg $0x0  }
0xae: {  	s6 =	sshll.u32 s28, $0x1;
	[dreg:$0x2] =	wrdreg s4  }
0xaf: {  	[dreg:$0x3] =	wrdreg s6  }
0xb0: {  	[dreg:$0x4] =	wrdreg $0xC0  }
0xb1: {  	_ =	task [dreg:s8], $0x5FFFF  }
0xb2: {  	[dreg:$0x1] =	wrdreg $0xFFFFFFFF  }
0xb3: {  	[dreg:$0x0] =	wrdreg $0x60  }
0xb4: {  	[dreg:$0x2] =	wrdreg s24  }
0xb5: {  	[dreg:$0x3] =	wrdreg s16  }
0xb6: {  	[dreg:$0x4] =	wrdreg s17  }
0xb7: {  	[dreg:$0x5] =	wrdreg $0x14A000  }
0xb8: {  	[dreg:$0x6] =	wrdreg $0x9  }
0xb9: {  	_ =	task.clear_ibuf [dreg:s8], $0x7FFFF;
	_ =	strace $0x90000049  }
0xba: {  	s29 =	simm.s32 $0x9;
	_ =	strace $0x8000004B  }
0xbb: {  	_ =	swait.ge [sflag:s29], $0x1  }
0xbc: {  	[sflag:s29] =	ssyncadd.s32 $0xFFFFFFFF  }
0xbd: {  	_ =	strace $0x9000004B  }
0xbe: {  	_ =	sfence  }
0xbf: {  	s30 =	sld [smem:$0x0];
	_ =	sdelay $0x2  }
0xc0: {  	s31 =	sshll.u32 s1, $0xD;
	s1 =	sshrl.u32 s1, $0x2  }
0xc1: {  	s3 =	sand.u32 $0x4000, s31;
	s1 =	sadd.s32 s1, s30  }
0xc2: {  	s0 =	sor.u32 s3, s0;
	s1 =	sshll.u32 s1, $0x11  }
0xc3: {  	s0 =	sor.u32 s1, s0  }
0xc4: {  	s0 =	sadd.s32 $0x8F2B, s0  }
0xc5: {  	[sflag:s0] =	ssyncadd.remote.s32 $0x1  }
0xc6: {  	_ =	sfence.sel $0xFFFF  }
0xc7: {  	[dreg:$0x0] =	wrdreg $0xFFFFFFFF;
	(pc) =	sbr.abs _section_cstart, $3  }
0xc8: {  	[dreg:$0x1] =	wrdreg $0xFFFFFFFF  }
0xc9: {  	_ =	task.clear_ibuf [dreg:s8], $0x2FFFF;
	_ =	strace $0x9FFFFFFF  }
0xca: {  	(tm) =	ssettm $0x7FFFFFFF  }
0xcb: {  	_ =	shalt  }
tec
execute0_lowered:
.L_overlay_start_1:
0x0: {  	(tag) =	ssettag $0x1  }
0x1: {  	s0 =	rddreg [dreg:$0x0]  }
0x2: {  	s6 =	rddreg [dreg:$0x1]  }
0x3: {  	s8 =	rddreg [dreg:$0x2]  }
0x4: {  	s2 =	rddreg [dreg:$0x3];
	s3 =	simm.s32 $0x0  }
0x5: {  	s4 =	srdreg.scid;
	s1 =	stileid.u32;
	s14 =	simm.s32 $0x5  }
0x6: {  	s16 =	simm.s32 $0x5000;
	s17 =	simm.s32 $0x7D;
	s18 =	simm.s32 $0x8E80  }
0x7: {  	s19 =	simm.s32 $0xCD00;
	s20 =	simm.s32 $0x10B80;
	s21 =	simm.s32 $0x1  }
0x8: {  	s22 =	simm.s32 $0x2;
	s23 =	simm.s32 $0x3;
	s24 =	simm.s32 $0x4  }
0x9: {  	s25 =	simm.s32 $0x0;
	[smem:$0x7FF] =	sst s3;
	s9 =	smul.u32 $0x139, s1  }
0xa: {  	s7 =	sand.u32 $0x1, s4;
	s4 =	sadd.s32 $0x1800, s0;
	s30 =	smul.u32 $0x27200, s1  }
0xb: {  	s5 =	sadd.s32 $0x15200, s0;
	s10 =	smul.u32 $0x1390, s7;
	s11 =	sshll.u32 s7, $0x4  }
0xc: {  	_ =	strace $0x8000004A;
	s7 =	ssub.s32 $0x2, s7;
	s29 =	sor.u32 s1, s11  }
0xd: {  	s31 =	sshrl.u32 s7, $0x1;
	s11 =	sshrl.u32 s30, $0x2;
	s9 =	sadd.s32 s9, s10  }
0xe: {  	s10 =	smul.u32 $0x500, s29;
	s13 =	ssub.s32 s7, s31;
	s9 =	sshll.u32 s9, $0x4  }
0xf: {  	s7 =	sadd.s32 s11, s2;
	s13 =	smax.u32 s13, $0x1;
	s0 =	sadd.s32 s9, s0  }
0x10: {  	s6 =	sadd.s32 s6, s10;
	s8 =	sadd.s32 s8, s10;
	s9 =	sadd.s32 $0x3E80, s7  }
0x11: {  	v0 =	vimm.f32 $0.0e+00;
	s10 =	sadd.s32 $0x7D00, s7;
	s11 =	sadd.s32 $0x28C00, s0;
	s12 =	sadd.s32 $0x4FE00, s0  }
.LBB2_1:
0x12: {  	[tilespmem:s3], [sflag:$0x5] =	stream.linear.gather [hbm4b:s6+s3], $0x2800, $0x38;
	[tilespmem:$0x1E680] =	vst v63  }
0x13: {  	_ =	swait.ge [sflag:s14], $0x2800  }
0x14: {  	[sflag:s14] =	ssyncset.done $0x0  }
0x15: {  	s0 =	simm.s32 $0x2800;
	[sflag:s14] =	ssyncadd.s32 $0xFFFFD800  }
0x16: {  	[tilespmem:s0], [sflag:$0x5] =	stream.linear.gather [hbm4b:s8+s3], $0x2800, $0x38;
	[tilespmem:$0x1E680] =	vst v63  }
0x17: {  	_ =	swait.ge [sflag:s14], $0x2800  }
0x18: {  	[sflag:s14] =	ssyncset.done $0x0  }
0x19: {  	s26 =	simm.s32 $0x0;
	s28 =	simm.s32 $0x200;
	[sflag:s14] =	ssyncadd.s32 $0xFFFFD800  }
.LBB2_2:
0x1a: {  	p0 =	sne.s32 s28, $0xF800;
	[tilespmem:s26+$0x5070] =	vst v0  }
0x1b: {  	[tilespmem:s26+$0x5000] =	vst v0  }
0x1c: {  	[tilespmem:s26+$0x5010] =	vst v0  }
.Ltmp0:
0x1d: {  	[tilespmem:s26+$0x5020] =	vst v0;
	(pc) =	sbr.rel @p0 .LBB2_2-.Ltmp0, $4  }
0x1e: {  	[tilespmem:s26+$0x5030] =	vst v0  }
0x1f: {  	[tilespmem:s26+$0x5040] =	vst v0  }
0x20: {  	[tilespmem:s26+$0x5050] =	vst v0  }
0x21: {  	[tilespmem:s26+$0x5060] =	vst v0;
	s26 =	sshra.s32 s28, $0x2;
	s28 =	sadd.s32 $0x200, s28  }
0x22: {  	[tilespmem:s26+$0x5070] =	vst v0  }
0x23: {  	[tilespmem:s26+$0x5000] =	vst v0  }
0x24: {  	[tilespmem:s26+$0x5010] =	vst v0  }
0x25: {  	[tilespmem:s26+$0x5020] =	vst v0  }
0x26: {  	[tilespmem:s26+$0x5030] =	vst v0  }
0x27: {  	[tilespmem:s26+$0x5040] =	vst v0  }
0x28: {  	[tilespmem:s26+$0x5050] =	vst v0  }
0x29: {  	[tilespmem:s26+$0x5060] =	vst v0  }
0x2a: {  	[spmem:s7] =	stream.linear.scatter [tilespmem:s16], [sflag:$0x5], $0x3E80, $0x38;
	[tilespmem:$0x1E680] =	vst v63  }
0x2b: {  	_ =	swait.ge [sflag:s14], $0x3E80  }
0x2c: {  	[sflag:s14] =	ssyncset.done $0x0  }
0x2d: {  	[sflag:s14] =	ssyncadd.s32 $0xFFFFC180  }
0x2e: {  	[spmem:s9] =	stream.linear.scatter [tilespmem:s16], [sflag:$0x5], $0x3E80, $0x38;
	[tilespmem:$0x1E680] =	vst v63  }
0x2f: {  	_ =	swait.ge [sflag:s14], $0x3E80  }
0x30: {  	[sflag:s14] =	ssyncset.done $0x0  }
0x31: {  	[sflag:s14] =	ssyncadd.s32 $0xFFFFC180  }
0x32: {  	[spmem:s10] =	stream.linear.scatter [tilespmem:s16], [sflag:$0x5], $0x1F80, $0x38;
	[tilespmem:$0x1E680] =	vst v63  }
0x33: {  	_ =	swait.ge [sflag:s14], $0x1F80  }
0x34: {  	[sflag:s14] =	ssyncset.done $0x0  }
0x35: {  	[sflag:s14] =	ssyncadd.s32 $0xFFFFE080  }
0x36: {  	s0 =	simm.s32 $0x0;
	[bflag:$0x0] =	sbarrier.arrive $0xFFFF  }
0x37: {  	[tilespmem:s16], [sflag:$0x1] =	stream.indirect.gather [hbm4b:s4+s17], $0x80, s0, s17, $0xb8;
	[tilespmem:$0x1E680] =	vst v63  }
0x38: {  	s31 =	simm.s32 $0x80  }
0x39: {  	[tilespmem:s18], [sflag:$0x2] =	stream.indirect.gather [hbm4b:s4+s17], $0x80, s31, s17, $0xb8;
	[tilespmem:$0x1E680] =	vst v63  }
0x3a: {  	s15 =	simm.s32 $0x100  }
0x3b: {  	[tilespmem:s19], [sflag:$0x3] =	stream.indirect.gather [hbm4b:s4+s17], $0x80, s15, s17, $0xb8;
	[tilespmem:$0x1E680] =	vst v63  }
0x3c: {  	s26 =	simm.s32 $0x180  }
0x3d: {  	[tilespmem:s20], [sflag:$0x4] =	stream.indirect.gather [hbm4b:s4+s17], $0x80, s26, s17, $0xb8;
	[tilespmem:$0x1E680] =	vst v63  }
0x3e: {  	_ =	swait.ge [sflag:s21], $0x3E80  }
0x3f: {  	[sflag:s21] =	ssyncset.done $0x0  }
0x40: {  	s28 =	simm.s32 $0x2800;
	[sflag:s21] =	ssyncadd.s32 $0xFFFFC180  }
0x41: {  	[spmem:s2] =	stream.indirect.scatter.add.f32 [tilespmem:s16], [sflag:$0x5], $0x80, s28, s17, $0xb8;
	[tilespmem:$0x1E680] =	vst v63  }
0x42: {  	_ =	swait.ge [sflag:s14], $0x3E80  }
0x43: {  	[sflag:s14] =	ssyncset.done $0x0  }
0x44: {  	[sflag:s14] =	ssyncadd.s32 $0xFFFFC180  }
0x45: {  	_ =	swait.ge [sflag:s22], $0x3E80  }
0x46: {  	[sflag:s22] =	ssyncset.done $0x0  }
0x47: {  	s29 =	simm.s32 $0x2880;
	[sflag:s22] =	ssyncadd.s32 $0xFFFFC180  }
0x48: {  	[spmem:s2] =	stream.indirect.scatter.add.f32 [tilespmem:s18], [sflag:$0x5], $0x80, s29, s17, $0xb8;
	[tilespmem:$0x1E680] =	vst v63  }
0x49: {  	_ =	swait.ge [sflag:s14], $0x3E80  }
0x4a: {  	[sflag:s14] =	ssyncset.done $0x0  }
0x4b: {  	[sflag:s14] =	ssyncadd.s32 $0xFFFFC180  }
0x4c: {  	_ =	swait.ge [sflag:s23], $0x3E80  }
0x4d: {  	[sflag:s23] =	ssyncset.done $0x0  }
0x4e: {  	s30 =	simm.s32 $0x2900;
	[sflag:s23] =	ssyncadd.s32 $0xFFFFC180  }
0x4f: {  	[spmem:s2] =	stream.indirect.scatter.add.f32 [tilespmem:s19], [sflag:$0x5], $0x80, s30, s17, $0xb8;
	[tilespmem:$0x1E680] =	vst v63  }
0x50: {  	_ =	swait.ge [sflag:s14], $0x3E80  }
0x51: {  	[sflag:s14] =	ssyncset.done $0x0  }
0x52: {  	[sflag:s14] =	ssyncadd.s32 $0xFFFFC180  }
0x53: {  	_ =	swait.ge [sflag:s24], $0x3E80  }
0x54: {  	[sflag:s24] =	ssyncset.done $0x0  }
0x55: {  	s31 =	simm.s32 $0x2980;
	[sflag:s24] =	ssyncadd.s32 $0xFFFFC180  }
0x56: {  	[spmem:s2] =	stream.indirect.scatter.add.f32 [tilespmem:s20], [sflag:$0x5], $0x80, s31, s17, $0xb8;
	[tilespmem:$0x1E680] =	vst v63  }
0x57: {  	_ =	swait.ge [sflag:s14], $0x3E80  }
0x58: {  	s0 =	simm.s32 $0x1000;
	s26 =	simm.s32 $0x800;
	[sflag:s14] =	ssyncset.done $0x0  }
.LBB2_4:
0x59: {  	s29 =	sshra.s32 s26, $0x2  }
0x5a: {  	[sflag:s14] =	ssyncadd.s32 $0xFFFFC180;
	s26 =	smov.u32 s0;
	s28 =	sadd.s32 $0x800, s0  }
0x5b: {  	[tilespmem:s16], [sflag:$0x1] =	stream.indirect.gather [hbm4b:s4+s17], $0x80, s29, s17, $0xb8;
	[tilespmem:$0x1E680] =	vst v63  }
0x5c: {  	p0 =	sne.s32 s0, $0x9800;
	s0 =	sadd.s32 $0x80, s29  }
0x5d: {  	[tilespmem:s18], [sflag:$0x2] =	stream.indirect.gather [hbm4b:s4+s17], $0x80, s0, s17, $0xb8;
	[tilespmem:$0x1E680] =	vst v63  }
0x5e: {  	s0 =	sadd.s32 $0x100, s29  }
0x5f: {  	[tilespmem:s19], [sflag:$0x3] =	stream.indirect.gather [hbm4b:s4+s17], $0x80, s0, s17, $0xb8;
	[tilespmem:$0x1E680] =	vst v63  }
0x60: {  	s0 =	sadd.s32 $0x180, s29  }
0x61: {  	[tilespmem:s20], [sflag:$0x4] =	stream.indirect.gather [hbm4b:s4+s17], $0x80, s0, s17, $0xb8;
	[tilespmem:$0x1E680] =	vst v63  }
0x62: {  	_ =	swait.ge [sflag:s21], $0x3E80  }
0x63: {  	[sflag:s21] =	ssyncset.done $0x0  }
0x64: {  	s0 =	sadd.s32 $0x2800, s29;
	[sflag:s21] =	ssyncadd.s32 $0xFFFFC180  }
0x65: {  	[spmem:s2] =	stream.indirect.scatter.add.f32 [tilespmem:s16], [sflag:$0x5], $0x80, s0, s17, $0xb8;
	[tilespmem:$0x1E680] =	vst v63  }
0x66: {  	_ =	swait.ge [sflag:s14], $0x3E80  }
0x67: {  	[sflag:s14] =	ssyncset.done $0x0  }
0x68: {  	[sflag:s14] =	ssyncadd.s32 $0xFFFFC180  }
0x69: {  	_ =	swait.ge [sflag:s22], $0x3E80  }
0x6a: {  	[sflag:s22] =	ssyncset.done $0x0  }
0x6b: {  	s0 =	sadd.s32 $0x2880, s29;
	[sflag:s22] =	ssyncadd.s32 $0xFFFFC180  }
0x6c: {  	[spmem:s2] =	stream.indirect.scatter.add.f32 [tilespmem:s18], [sflag:$0x5], $0x80, s0, s17, $0xb8;
	[tilespmem:$0x1E680] =	vst v63  }
0x6d: {  	_ =	swait.ge [sflag:s14], $0x3E80  }
0x6e: {  	[sflag:s14] =	ssyncset.done $0x0  }
0x6f: {  	[sflag:s14] =	ssyncadd.s32 $0xFFFFC180  }
0x70: {  	_ =	swait.ge [sflag:s23], $0x3E80  }
0x71: {  	[sflag:s23] =	ssyncset.done $0x0  }
0x72: {  	s0 =	sadd.s32 $0x2900, s29;
	[sflag:s23] =	ssyncadd.s32 $0xFFFFC180  }
0x73: {  	[spmem:s2] =	stream.indirect.scatter.add.f32 [tilespmem:s19], [sflag:$0x5], $0x80, s0, s17, $0xb8;
	[tilespmem:$0x1E680] =	vst v63  }
0x74: {  	_ =	swait.ge [sflag:s14], $0x3E80  }
0x75: {  	[sflag:s14] =	ssyncset.done $0x0  }
0x76: {  	[sflag:s14] =	ssyncadd.s32 $0xFFFFC180  }
0x77: {  	_ =	swait.ge [sflag:s24], $0x3E80  }
.Ltmp1:
0x78: {  	[sflag:s24] =	ssyncset.done $0x0;
	(pc) =	sbr.rel @p0 .LBB2_4-.Ltmp1, $4  }
0x79: {  	s0 =	sadd.s32 $0x2980, s29;
	[sflag:s24] =	ssyncadd.s32 $0xFFFFC180  }
0x7a: {  	[spmem:s2] =	stream.indirect.scatter.add.f32 [tilespmem:s20], [sflag:$0x5], $0x80, s0, s17, $0xb8;
	[tilespmem:$0x1E680] =	vst v63  }
0x7b: {  	_ =	swait.ge [sflag:s14], $0x3E80  }
0x7c: {  	s0 =	smov.u32 s28;
	[sflag:s14] =	ssyncset.done $0x0  }
0x7d: {  	s0 =	sshra.s32 s26, $0x2;
	[sflag:s14] =	ssyncadd.s32 $0xFFFFC180  }
0x7e: {  	[tilespmem:s16], [sflag:$0x1] =	stream.indirect.gather [hbm4b:s4+s17], $0x80, s0, s17, $0xb8;
	[tilespmem:$0x1E680] =	vst v63  }
0x7f: {  	s26 =	sadd.s32 $0x80, s0  }
0x80: {  	[tilespmem:s18], [sflag:$0x2] =	stream.indirect.gather [hbm4b:s4+s17], $0x80, s26, s17, $0xb8;
	[tilespmem:$0x1E680] =	vst v63  }
0x81: {  	s15 =	sadd.s32 $0x100, s0  }
0x82: {  	[tilespmem:s19], [sflag:$0x3] =	stream.indirect.gather [hbm4b:s4+s17], $0x80, s15, s17, $0xb8;
	[tilespmem:$0x1E680] =	vst v63  }
0x83: {  	s31 =	sadd.s32 $0x180, s0  }
0x84: {  	[tilespmem:s20], [sflag:$0x4] =	stream.indirect.gather [hbm4b:s4+s17], $0x80, s31, s17, $0xb8;
	[tilespmem:$0x1E680] =	vst v63  }
0x85: {  	_ =	swait.ge [sflag:s21], $0x3E80  }
0x86: {  	[sflag:s21] =	ssyncset.done $0x0  }
0x87: {  	s15 =	sadd.s32 $0x2800, s0;
	[sflag:s21] =	ssyncadd.s32 $0xFFFFC180  }
0x88: {  	[spmem:s2] =	stream.indirect.scatter.add.f32 [tilespmem:s16], [sflag:$0x5], $0x80, s15, s17, $0xb8;
	[tilespmem:$0x1E680] =	vst v63  }
0x89: {  	_ =	swait.ge [sflag:s14], $0x3E80  }
0x8a: {  	[sflag:s14] =	ssyncset.done $0x0  }
0x8b: {  	[sflag:s14] =	ssyncadd.s32 $0xFFFFC180  }
0x8c: {  	_ =	swait.ge [sflag:s22], $0x3E80  }
0x8d: {  	[sflag:s22] =	ssyncset.done $0x0  }
0x8e: {  	s31 =	sadd.s32 $0x2880, s0;
	[sflag:s22] =	ssyncadd.s32 $0xFFFFC180  }
0x8f: {  	[spmem:s2] =	stream.indirect.scatter.add.f32 [tilespmem:s18], [sflag:$0x5], $0x80, s31, s17, $0xb8;
	[tilespmem:$0x1E680] =	vst v63  }
0x90: {  	_ =	swait.ge [sflag:s14], $0x3E80  }
0x91: {  	[sflag:s14] =	ssyncset.done $0x0  }
0x92: {  	[sflag:s14] =	ssyncadd.s32 $0xFFFFC180  }
0x93: {  	_ =	swait.ge [sflag:s23], $0x3E80  }
0x94: {  	[sflag:s23] =	ssyncset.done $0x0  }
0x95: {  	s15 =	sadd.s32 $0x2900, s0;
	[sflag:s23] =	ssyncadd.s32 $0xFFFFC180  }
0x96: {  	[spmem:s2] =	stream.indirect.scatter.add.f32 [tilespmem:s19], [sflag:$0x5], $0x80, s15, s17, $0xb8;
	[tilespmem:$0x1E680] =	vst v63  }
0x97: {  	_ =	swait.ge [sflag:s14], $0x3E80  }
0x98: {  	[sflag:s14] =	ssyncset.done $0x0  }
0x99: {  	[sflag:s14] =	ssyncadd.s32 $0xFFFFC180  }
0x9a: {  	_ =	swait.ge [sflag:s24], $0x3E80  }
0x9b: {  	[sflag:s24] =	ssyncset.done $0x0  }
0x9c: {  	s0 =	sadd.s32 $0x2980, s0;
	[sflag:s24] =	ssyncadd.s32 $0xFFFFC180  }
0x9d: {  	[spmem:s2] =	stream.indirect.scatter.add.f32 [tilespmem:s20], [sflag:$0x5], $0x80, s0, s17, $0xb8;
	[tilespmem:$0x1E680] =	vst v63  }
0x9e: {  	_ =	swait.ge [sflag:s14], $0x3E80  }
0x9f: {  	[sflag:s14] =	ssyncset.done $0x0  }
0xa0: {  	s31 =	sshll.u32 s1, $0x6;
	[sflag:s14] =	ssyncadd.s32 $0xFFFFC180  }
0xa1: {  	s28 =	sshrl.u32 s7, $0x3;
	s26 =	sor.u32 $0x1C05, s31;
	[bflag:$0x0] =	sbarrier.arrive $0xFFFF  }
0xa2: {  	[hbm:s11], [sflag:s26] =	dma.local [spmem:s28], $0x1390  }
0xa3: {  	_ =	swait.ge [sflag:s14], $0x1390  }
0xa4: {  	[sflag:s14] =	ssyncset.done $0x0  }
0xa5: {  	s29 =	simm.s32 $0x0;
	s30 =	simm.s32 $0x200;
	[sflag:s14] =	ssyncadd.s32 $0xFFFFEC70  }
.LBB2_6:
0xa6: {  	p0 =	sne.s32 s30, $0xF800;
	[tilespmem:s29+$0x5070] =	vst v0  }
0xa7: {  	[tilespmem:s29+$0x5000] =	vst v0  }
0xa8: {  	[tilespmem:s29+$0x5010] =	vst v0  }
.Ltmp2:
0xa9: {  	[tilespmem:s29+$0x5020] =	vst v0;
	(pc) =	sbr.rel @p0 .LBB2_6-.Ltmp2, $4  }
0xaa: {  	[tilespmem:s29+$0x5030] =	vst v0  }
0xab: {  	[tilespmem:s29+$0x5040] =	vst v0  }
0xac: {  	[tilespmem:s29+$0x5050] =	vst v0  }
0xad: {  	[tilespmem:s29+$0x5060] =	vst v0;
	s29 =	sshra.s32 s30, $0x2;
	s30 =	sadd.s32 $0x200, s30  }
0xae: {  	[tilespmem:s29+$0x5070] =	vst v0  }
0xaf: {  	[tilespmem:s29+$0x5000] =	vst v0  }
0xb0: {  	[tilespmem:s29+$0x5010] =	vst v0  }
0xb1: {  	[tilespmem:s29+$0x5020] =	vst v0  }
0xb2: {  	[tilespmem:s29+$0x5030] =	vst v0  }
0xb3: {  	[tilespmem:s29+$0x5040] =	vst v0  }
0xb4: {  	[tilespmem:s29+$0x5050] =	vst v0  }
0xb5: {  	[tilespmem:s29+$0x5060] =	vst v0  }
0xb6: {  	[spmem:s7] =	stream.linear.scatter [tilespmem:s16], [sflag:$0x5], $0x3E80, $0x38;
	[tilespmem:$0x1E680] =	vst v63  }
0xb7: {  	_ =	swait.ge [sflag:s14], $0x3E80  }
0xb8: {  	[sflag:s14] =	ssyncset.done $0x0  }
0xb9: {  	[sflag:s14] =	ssyncadd.s32 $0xFFFFC180  }
0xba: {  	[spmem:s9] =	stream.linear.scatter [tilespmem:s16], [sflag:$0x5], $0x3E80, $0x38;
	[tilespmem:$0x1E680] =	vst v63  }
0xbb: {  	_ =	swait.ge [sflag:s14], $0x3E80  }
0xbc: {  	[sflag:s14] =	ssyncset.done $0x0  }
0xbd: {  	[sflag:s14] =	ssyncadd.s32 $0xFFFFC180  }
0xbe: {  	[spmem:s10] =	stream.linear.scatter [tilespmem:s16], [sflag:$0x5], $0x1F80, $0x38;
	[tilespmem:$0x1E680] =	vst v63  }
0xbf: {  	_ =	swait.ge [sflag:s14], $0x1F80  }
0xc0: {  	[sflag:s14] =	ssyncset.done $0x0  }
0xc1: {  	[sflag:s14] =	ssyncadd.s32 $0xFFFFE080  }
0xc2: {  	s0 =	simm.s32 $0x2800;
	[bflag:$0x0] =	sbarrier.arrive $0xFFFF  }
0xc3: {  	[tilespmem:s16], [sflag:$0x1] =	stream.indirect.gather [hbm4b:s5+s17], $0x80, s0, s17, $0xb8;
	[tilespmem:$0x1E680] =	vst v63  }
0xc4: {  	s31 =	simm.s32 $0x2880  }
0xc5: {  	[tilespmem:s18], [sflag:$0x2] =	stream.indirect.gather [hbm4b:s5+s17], $0x80, s31, s17, $0xb8;
	[tilespmem:$0x1E680] =	vst v63  }
0xc6: {  	s15 =	simm.s32 $0x2900  }
0xc7: {  	[tilespmem:s19], [sflag:$0x3] =	stream.indirect.gather [hbm4b:s5+s17], $0x80, s15, s17, $0xb8;
	[tilespmem:$0x1E680] =	vst v63  }
0xc8: {  	s31 =	simm.s32 $0x2980  }
0xc9: {  	[tilespmem:s20], [sflag:$0x4] =	stream.indirect.gather [hbm4b:s5+s17], $0x80, s31, s17, $0xb8;
	[tilespmem:$0x1E680] =	vst v63  }
0xca: {  	_ =	swait.ge [sflag:s21], $0x3E80  }
0xcb: {  	[sflag:s21] =	ssyncset.done $0x0  }
0xcc: {  	s15 =	simm.s32 $0x0;
	[sflag:s21] =	ssyncadd.s32 $0xFFFFC180  }
0xcd: {  	[spmem:s2] =	stream.indirect.scatter.add.f32 [tilespmem:s16], [sflag:$0x5], $0x80, s15, s17, $0xb8;
	[tilespmem:$0x1E680] =	vst v63  }
0xce: {  	_ =	swait.ge [sflag:s14], $0x3E80  }
0xcf: {  	[sflag:s14] =	ssyncset.done $0x0  }
0xd0: {  	[sflag:s14] =	ssyncadd.s32 $0xFFFFC180  }
0xd1: {  	_ =	swait.ge [sflag:s22], $0x3E80  }
0xd2: {  	[sflag:s22] =	ssyncset.done $0x0  }
0xd3: {  	s31 =	simm.s32 $0x80;
	[sflag:s22] =	ssyncadd.s32 $0xFFFFC180  }
0xd4: {  	[spmem:s2] =	stream.indirect.scatter.add.f32 [tilespmem:s18], [sflag:$0x5], $0x80, s31, s17, $0xb8;
	[tilespmem:$0x1E680] =	vst v63  }
0xd5: {  	_ =	swait.ge [sflag:s14], $0x3E80  }
0xd6: {  	[sflag:s14] =	ssyncset.done $0x0  }
0xd7: {  	[sflag:s14] =	ssyncadd.s32 $0xFFFFC180  }
0xd8: {  	_ =	swait.ge [sflag:s23], $0x3E80  }
0xd9: {  	[sflag:s23] =	ssyncset.done $0x0  }
0xda: {  	s15 =	simm.s32 $0x100;
	[sflag:s23] =	ssyncadd.s32 $0xFFFFC180  }
0xdb: {  	[spmem:s2] =	stream.indirect.scatter.add.f32 [tilespmem:s19], [sflag:$0x5], $0x80, s15, s17, $0xb8;
	[tilespmem:$0x1E680] =	vst v63  }
0xdc: {  	_ =	swait.ge [sflag:s14], $0x3E80  }
0xdd: {  	[sflag:s14] =	ssyncset.done $0x0  }
0xde: {  	[sflag:s14] =	ssyncadd.s32 $0xFFFFC180  }
0xdf: {  	_ =	swait.ge [sflag:s24], $0x3E80  }
0xe0: {  	[sflag:s24] =	ssyncset.done $0x0  }
0xe1: {  	s31 =	simm.s32 $0x180;
	[sflag:s24] =	ssyncadd.s32 $0xFFFFC180  }
0xe2: {  	[spmem:s2] =	stream.indirect.scatter.add.f32 [tilespmem:s20], [sflag:$0x5], $0x80, s31, s17, $0xb8;
	[tilespmem:$0x1E680] =	vst v63  }
0xe3: {  	_ =	swait.ge [sflag:s14], $0x3E80  }
0xe4: {  	s30 =	simm.s32 $0x1000;
	s29 =	simm.s32 $0x200;
	[sflag:s14] =	ssyncset.done $0x0  }
.LBB2_8:
0xe5: {  	s15 =	sadd.s32 $0x2800, s29  }
0xe6: {  	[sflag:s14] =	ssyncadd.s32 $0xFFFFC180;
	s31 =	smov.u32 s30;
	s0 =	sadd.s32 $0x800, s30  }
0xe7: {  	[tilespmem:s16], [sflag:$0x1] =	stream.indirect.gather [hbm4b:s5+s17], $0x80, s15, s17, $0xb8;
	[tilespmem:$0x1E680] =	vst v63  }
0xe8: {  	p0 =	sne.s32 s30, $0x9800;
	s15 =	sadd.s32 $0x2880, s29  }
0xe9: {  	[tilespmem:s18], [sflag:$0x2] =	stream.indirect.gather [hbm4b:s5+s17], $0x80, s15, s17, $0xb8;
	[tilespmem:$0x1E680] =	vst v63  }
0xea: {  	s15 =	sadd.s32 $0x2900, s29  }
0xeb: {  	[tilespmem:s19], [sflag:$0x3] =	stream.indirect.gather [hbm4b:s5+s17], $0x80, s15, s17, $0xb8;
	[tilespmem:$0x1E680] =	vst v63  }
0xec: {  	s15 =	sadd.s32 $0x2980, s29  }
0xed: {  	[tilespmem:s20], [sflag:$0x4] =	stream.indirect.gather [hbm4b:s5+s17], $0x80, s15, s17, $0xb8;
	[tilespmem:$0x1E680] =	vst v63  }
0xee: {  	_ =	swait.ge [sflag:s21], $0x3E80  }
0xef: {  	[sflag:s21] =	ssyncset.done $0x0  }
0xf0: {  	[sflag:s21] =	ssyncadd.s32 $0xFFFFC180  }
0xf1: {  	[spmem:s2] =	stream.indirect.scatter.add.f32 [tilespmem:s16], [sflag:$0x5], $0x80, s29, s17, $0xb8;
	[tilespmem:$0x1E680] =	vst v63  }
0xf2: {  	_ =	swait.ge [sflag:s14], $0x3E80  }
0xf3: {  	[sflag:s14] =	ssyncset.done $0x0  }
0xf4: {  	[sflag:s14] =	ssyncadd.s32 $0xFFFFC180  }
0xf5: {  	_ =	swait.ge [sflag:s22], $0x3E80  }
0xf6: {  	[sflag:s22] =	ssyncset.done $0x0  }
0xf7: {  	s15 =	sadd.s32 $0x80, s29;
	[sflag:s22] =	ssyncadd.s32 $0xFFFFC180  }
0xf8: {  	[spmem:s2] =	stream.indirect.scatter.add.f32 [tilespmem:s18], [sflag:$0x5], $0x80, s15, s17, $0xb8;
	[tilespmem:$0x1E680] =	vst v63  }
0xf9: {  	_ =	swait.ge [sflag:s14], $0x3E80  }
0xfa: {  	[sflag:s14] =	ssyncset.done $0x0  }
0xfb: {  	[sflag:s14] =	ssyncadd.s32 $0xFFFFC180  }
0xfc: {  	_ =	swait.ge [sflag:s23], $0x3E80  }
0xfd: {  	[sflag:s23] =	ssyncset.done $0x0  }
0xfe: {  	s15 =	sadd.s32 $0x100, s29;
	[sflag:s23] =	ssyncadd.s32 $0xFFFFC180  }
0xff: {  	[spmem:s2] =	stream.indirect.scatter.add.f32 [tilespmem:s19], [sflag:$0x5], $0x80, s15, s17, $0xb8;
	[tilespmem:$0x1E680] =	vst v63  }
0x100: {  	_ =	swait.ge [sflag:s14], $0x3E80  }
0x101: {  	[sflag:s14] =	ssyncset.done $0x0  }
0x102: {  	[sflag:s14] =	ssyncadd.s32 $0xFFFFC180  }
0x103: {  	_ =	swait.ge [sflag:s24], $0x3E80  }
.Ltmp3:
0x104: {  	[sflag:s24] =	ssyncset.done $0x0;
	(pc) =	sbr.rel @p0 .LBB2_8-.Ltmp3, $4  }
0x105: {  	s15 =	sadd.s32 $0x180, s29;
	[sflag:s24] =	ssyncadd.s32 $0xFFFFC180  }
0x106: {  	[spmem:s2] =	stream.indirect.scatter.add.f32 [tilespmem:s20], [sflag:$0x5], $0x80, s15, s17, $0xb8;
	[tilespmem:$0x1E680] =	vst v63  }
0x107: {  	_ =	swait.ge [sflag:s14], $0x3E80  }
0x108: {  	s30 =	smov.u32 s0;
	s29 =	sshra.s32 s31, $0x2;
	[sflag:s14] =	ssyncset.done $0x0  }
0x109: {  	s0 =	sadd.s32 $0x2800, s29;
	[sflag:s14] =	ssyncadd.s32 $0xFFFFC180  }
0x10a: {  	[tilespmem:s16], [sflag:$0x1] =	stream.indirect.gather [hbm4b:s5+s17], $0x80, s0, s17, $0xb8;
	[tilespmem:$0x1E680] =	vst v63  }
0x10b: {  	s15 =	sadd.s32 $0x2880, s29  }
0x10c: {  	[tilespmem:s18], [sflag:$0x2] =	stream.indirect.gather [hbm4b:s5+s17], $0x80, s15, s17, $0xb8;
	[tilespmem:$0x1E680] =	vst v63  }
0x10d: {  	s30 =	sadd.s32 $0x2900, s29  }
0x10e: {  	[tilespmem:s19], [sflag:$0x3] =	stream.indirect.gather [hbm4b:s5+s17], $0x80, s30, s17, $0xb8;
	[tilespmem:$0x1E680] =	vst v63  }
0x10f: {  	s31 =	sadd.s32 $0x2980, s29  }
0x110: {  	[tilespmem:s20], [sflag:$0x4] =	stream.indirect.gather [hbm4b:s5+s17], $0x80, s31, s17, $0xb8;
	[tilespmem:$0x1E680] =	vst v63  }
0x111: {  	_ =	swait.ge [sflag:s21], $0x3E80  }
0x112: {  	[sflag:s21] =	ssyncset.done $0x0  }
0x113: {  	[sflag:s21] =	ssyncadd.s32 $0xFFFFC180  }
0x114: {  	[spmem:s2] =	stream.indirect.scatter.add.f32 [tilespmem:s16], [sflag:$0x5], $0x80, s29, s17, $0xb8;
	[tilespmem:$0x1E680] =	vst v63  }
0x115: {  	_ =	swait.ge [sflag:s14], $0x3E80  }
0x116: {  	[sflag:s14] =	ssyncset.done $0x0  }
0x117: {  	[sflag:s14] =	ssyncadd.s32 $0xFFFFC180  }
0x118: {  	_ =	swait.ge [sflag:s22], $0x3E80  }
0x119: {  	[sflag:s22] =	ssyncset.done $0x0  }
0x11a: {  	s15 =	sadd.s32 $0x80, s29;
	[sflag:s22] =	ssyncadd.s32 $0xFFFFC180  }
0x11b: {  	[spmem:s2] =	stream.indirect.scatter.add.f32 [tilespmem:s18], [sflag:$0x5], $0x80, s15, s17, $0xb8;
	[tilespmem:$0x1E680] =	vst v63  }
0x11c: {  	_ =	swait.ge [sflag:s14], $0x3E80  }
0x11d: {  	[sflag:s14] =	ssyncset.done $0x0  }
0x11e: {  	[sflag:s14] =	ssyncadd.s32 $0xFFFFC180  }
0x11f: {  	_ =	swait.ge [sflag:s23], $0x3E80  }
0x120: {  	[sflag:s23] =	ssyncset.done $0x0  }
0x121: {  	s30 =	sadd.s32 $0x100, s29;
	[sflag:s23] =	ssyncadd.s32 $0xFFFFC180  }
0x122: {  	[spmem:s2] =	stream.indirect.scatter.add.f32 [tilespmem:s19], [sflag:$0x5], $0x80, s30, s17, $0xb8;
	[tilespmem:$0x1E680] =	vst v63  }
0x123: {  	_ =	swait.ge [sflag:s14], $0x3E80  }
0x124: {  	[sflag:s14] =	ssyncset.done $0x0  }
0x125: {  	[sflag:s14] =	ssyncadd.s32 $0xFFFFC180  }
0x126: {  	_ =	swait.ge [sflag:s24], $0x3E80  }
0x127: {  	[sflag:s24] =	ssyncset.done $0x0  }
0x128: {  	s31 =	sadd.s32 $0x180, s29;
	[sflag:s24] =	ssyncadd.s32 $0xFFFFC180  }
0x129: {  	[spmem:s2] =	stream.indirect.scatter.add.f32 [tilespmem:s20], [sflag:$0x5], $0x80, s31, s17, $0xb8;
	[tilespmem:$0x1E680] =	vst v63  }
0x12a: {  	_ =	swait.ge [sflag:s14], $0x3E80  }
0x12b: {  	s25 =	sadd.s32 $0x1, s25;
	[sflag:s14] =	ssyncset.done $0x0  }
0x12c: {  	p0 =	sne.s32 s25, s13;
	[sflag:s14] =	ssyncadd.s32 $0xFFFFC180  }
.Ltmp4:
0x12d: {  	[bflag:$0x0] =	sbarrier.arrive $0xFFFF;
	(pc) =	sbr.rel @p0 .LBB2_1-.Ltmp4, $4  }
0x12e: {  	[hbm:s12], [sflag:s26] =	dma.local [spmem:s28], $0x1390  }
0x12f: {  	_ =	swait.ge [sflag:s14], $0x1390  }
0x130: {  	[sflag:s14] =	ssyncset.done $0x0  }
0x131: {  	[sflag:s14] =	ssyncadd.s32 $0xFFFFEC70  }
0x132: {  	_ =	sfence.sel $0x180000  }
0x133: {  	[bflag:$0x0] =	sbarrier.arrive $0xFFFF  }
0x134: {  	_ =	strace $0x9000004A  }
0x135: {  	[bflag:$0x2] =	sbarrier.arrive $0xFFFF  }
0x136: {  	p0 =	sne.s32 s1, $0x0;
	s0 =	rddreg [dreg:$0x4]  }
0x137: {  	s0 =	sadd.s32 @!p0 $0x100000, s0  }
0x138: {  	[sflag:s0] =	ssyncadd.tile.s32 @!p0 $0x1;
	_ =	shalt  }
.Lfunc_end2:
_tile_overlayer_lowered:
.L_overlay_start_2:
0x139: {  	(tag) =	ssettag $0x2  }
0x13a: {  	s0 =	rddreg [dreg:$0x0];
	s2 =	stileid.u32  }
0x13b: {  	s1 =	rddreg [dreg:$0x1];
	p0 =	sne.s32 s2, $0x0  }
0x13c: {  	s3 =	rddreg [dreg:$0x2];
	[bflag:$0x3] =	sbarrier.arrive $0xFFFF;
	s2 =	simm.s32 @!p0 $0x1C05  }
0x13d: {  	[timem:s3], [sflag:s2] =	dma.local @!p0 [hbm:s0], s1  }
0x13e: {  	s0 =	simm.s32 @!p0 $0x5  }
0x13f: {  	_ =	swait.ge @!p0 [sflag:s0], s1  }
0x140: {  	s1 =	ssub.s32 @!p0 $0x0, s1;
	[sflag:s0] =	ssyncset.done @!p0 $0x0  }
0x141: {  	[sflag:s0] =	ssyncadd.s32 @!p0 s1  }
0x142: {  	[bflag:$0x3] =	sbarrier.arrive $0xFFFF  }
0x143: {  	_ =	shalt  }

</sc_bundles>
